<compile_context>
chip_gen: v7x
topology: tpu7x:2x2x1
jax: 0.10.2.dev20260603
libtpu: 0.0.44.dev20260713+nightly
codegen_flags: <defaults>
</compile_context>

<pallas_src>
import functools

import jax
import jax.numpy as jnp
from jax import lax
from jax.experimental import pallas as pl
from jax.experimental.pallas import tpu as pltpu
from jax.experimental.pallas import tpu_sc as plsc

NC = 2
NS = 16
NW = NC * NS

D = 128
CHUNK = 128
NBUF = 6
LAG = 3


@functools.partial(jax.jit, static_argnames=("b_per_w", "n_chunks"))
def _embed_lookup(idx_grp, table, *, b_per_w, n_chunks):
    B = NW * b_per_w

    mesh = plsc.VectorSubcoreMesh(
        core_axis_name="c", subcore_axis_name="s", num_cores=NC, num_subcores=NS
    )

    @functools.partial(
        pl.kernel,
        out_type=jax.ShapeDtypeStruct((B, D), jnp.float32),
        mesh=mesh,
        scratch_types=[
            pltpu.VMEM((n_chunks, CHUNK), jnp.int32),
            pltpu.VMEM((NBUF, CHUNK, D), jnp.float32),
            pltpu.SemaphoreType.DMA((NBUF,)),
            pltpu.SemaphoreType.DMA((NBUF,)),
        ],
    )
    def body(idx_hbm, table_hbm, out_hbm, idx_v, rows_v, gsem, ssem):
        wid = lax.axis_index("s") * NC + lax.axis_index("c")
        base = wid * b_per_w
        pltpu.sync_copy(idx_hbm.at[wid], idx_v)

        def gather(g, b):
            return pltpu.make_async_copy(
                table_hbm.at[idx_v.at[g]], rows_v.at[b], gsem.at[b]
            )

        def store(g, b):
            return pltpu.make_async_copy(
                rows_v.at[b], out_hbm.at[pl.ds(base + g * CHUNK, CHUNK)], ssem.at[b]
            )

        def step(g, b, do_swait, do_complete):
            if do_complete:
                b2 = (b - LAG) % NBUF
                gather(g - LAG, b2).wait()
                store(g - LAG, b2).start()
            if do_swait:
                store(g - NBUF, b).wait()
            gather(g, b).start()

        for g in range(NBUF):
            step(g, g % NBUF, do_swait=False, do_complete=g >= LAG)

        n_main = (n_chunks - NBUF) // NBUF

        def outer(it, carry):
            g0 = NBUF + it * NBUF
            for b0 in range(NBUF):
                step(g0 + b0, b0, do_swait=True, do_complete=True)
            return carry

        lax.fori_loop(0, n_main, outer, 0)
        for g in range(NBUF + n_main * NBUF, n_chunks):
            step(g, g % NBUF, do_swait=True, do_complete=True)

        for g in range(n_chunks, n_chunks + LAG):
            b2 = (g - LAG) % NBUF
            gather(g - LAG, b2).wait()
            store(g - LAG, b2).start()
        for g in range(n_chunks - NBUF, n_chunks):
            store(g, g % NBUF).wait()

    return body(idx_grp, table)


def kernel(input_ids, table):
    Bt, T = input_ids.shape
    B = Bt * T
    assert B % (NW * CHUNK) == 0
    b_per_w = B // NW
    n_chunks = b_per_w // CHUNK
    idx_grp = input_ids.reshape(NW, n_chunks, CHUNK).astype(jnp.int32)
    out = _embed_lookup(idx_grp, table, b_per_w=b_per_w, n_chunks=n_chunks)
    return out.reshape(Bt, T, D)

# --- scband reference (transcript-rebuilt; emitter-appended) ---
"""Pipeline reference for scband-bpetoken-embedding-71571335021013 (READ-ONLY COPY).

The authoritative reference and input builder live on the scoring server;
editing this copy changes nothing except your own understanding.
"""

import jax, jax.numpy as jnp
import numpy as np

VOCAB = 100000
EMBED_DIM = 128

def setup_inputs(seed: int = 0) -> dict:
    key = jax.random.key(seed)
    k1, k2 = jax.random.split(key)
    input_ids = jax.random.randint(k1, (4096, 200), 0, VOCAB, dtype=jnp.int64 if jax.config.jax_enable_x64 else jnp.int32)
    table = jax.random.normal(k2, (VOCAB, EMBED_DIM), dtype=jnp.float32)
    return {"input_ids": input_ids, "table": table}

def reference(input_ids, table):
    # torch.nn.Embedding forward: row gather from the embedding table
    return jnp.take(table, input_ids, axis=0)

if __name__ == "__main__":
    import jax
    _d = setup_inputs()
    print(jax.jit(kernel)(*tuple(_d.values())))

</pallas_src>

<mosaic_0001>
#map = affine_map<(d0, d1) -> (0, 0, 0)>
#map1 = affine_map<(d0, d1) -> (0, 0)>
module attributes {stable_mosaic.version = 14 : i64} {
  func.func @body(%arg0: i32, %arg1: i32, %arg2: memref<32x200x128xi32, #tpu.memory_space<hbm>>, %arg3: memref<100000x128xf32, #tpu.memory_space<hbm>>, %arg4: memref<819200x128xf32, #tpu.memory_space<hbm>>, %arg5: memref<200x128xi32, #tpu.memory_space<vmem>>, %arg6: memref<6x128x128xf32, #tpu.memory_space<vmem>>, %arg7: memref<6x!tpu.dma_semaphore, #tpu.memory_space<semaphore_mem>>, %arg8: memref<6x!tpu.dma_semaphore, #tpu.memory_space<semaphore_mem>>) attributes {dimension_semantics = [#tpu.dimension_semantics<core_parallel>, #tpu.dimension_semantics<subcore_parallel>], iteration_bounds = array<i64: 2, 16>, scalar_prefetch = 0 : i64, scratch_operands = 4 : i64, tpu.core_type = #tpu.core_type<sc_vector_subcore>, window_params = [{transform_indices = #map}, {transform_indices = #map1}, {transform_indices = #map1}]} {
    %mul3A = arith.constant 2 : i32
    %mul3A_0 = arith.muli %arg1, %mul3A : i32
    %add3A = arith.addi %mul3A_0, %arg0 : i32
    %mul3A_1 = arith.constant 25600 : i32
    %mul3A_2 = arith.muli %add3A, %mul3A_1 : i32
    "tpu.region"() ({
      %run_scoped3A = tpu.sem_alloc : memref<!tpu.dma_semaphore, #tpu.memory_space<semaphore_mem>>
      %dma_start3A_534 = arith.constant 0 : i32
      %dma_start3A_535 = arith.constant 0 : i32
      %dma_start3A_536 = tpu.memref_slice %arg2[%add3A, %dma_start3A_534, %dma_start3A_535] : memref<32x200x128xi32, #tpu.memory_space<hbm>> -> memref<1x200x128xi32, #tpu.memory_space<hbm>>
      %dma_start3A_537 = tpu.memref_squeeze %dma_start3A_536 : memref<1x200x128xi32, #tpu.memory_space<hbm>> -> memref<200x128xi32, #tpu.memory_space<hbm>>
      %dma_start3A_538 = arith.constant 0 : i32
      %dma_start3A_539 = arith.constant 0 : i32
      %dma_start3A_540 = tpu.memref_slice %arg2[%add3A, %dma_start3A_538, %dma_start3A_539] : memref<32x200x128xi32, #tpu.memory_space<hbm>> -> memref<1x200x128xi32, #tpu.memory_space<hbm>>
      %dma_start3A_541 = tpu.memref_squeeze %dma_start3A_540 : memref<1x200x128xi32, #tpu.memory_space<hbm>> -> memref<200x128xi32, #tpu.memory_space<hbm>>
      tpu.enqueue_dma source(%dma_start3A_541 : memref<200x128xi32, #tpu.memory_space<hbm>>) target(%arg5 : memref<200x128xi32, #tpu.memory_space<vmem>>) target_semaphore(%run_scoped3A : memref<!tpu.dma_semaphore, #tpu.memory_space<semaphore_mem>>)
      %dma_wait3A_542 = arith.constant 0 : i32
      %dma_wait3A_543 = arith.constant 0 : i32
      %dma_wait3A_544 = tpu.memref_slice %arg2[%add3A, %dma_wait3A_542, %dma_wait3A_543] : memref<32x200x128xi32, #tpu.memory_space<hbm>> -> memref<1x200x128xi32, #tpu.memory_space<hbm>>
      %dma_wait3A_545 = tpu.memref_squeeze %dma_wait3A_544 : memref<1x200x128xi32, #tpu.memory_space<hbm>> -> memref<200x128xi32, #tpu.memory_space<hbm>>
      %dma_wait3A_546 = arith.constant 0 : i32
      %dma_wait3A_547 = arith.constant 0 : i32
      %dma_wait3A_548 = tpu.memref_slice %arg2[%add3A, %dma_wait3A_546, %dma_wait3A_547] : memref<32x200x128xi32, #tpu.memory_space<hbm>> -> memref<1x200x128xi32, #tpu.memory_space<hbm>>
      %dma_wait3A_549 = tpu.memref_squeeze %dma_wait3A_548 : memref<1x200x128xi32, #tpu.memory_space<hbm>> -> memref<200x128xi32, #tpu.memory_space<hbm>>
      tpu.wait_dma2 semaphore(%run_scoped3A : memref<!tpu.dma_semaphore, #tpu.memory_space<semaphore_mem>>) src(%dma_wait3A_549 : memref<200x128xi32, #tpu.memory_space<hbm>>) dst(%arg5 : memref<200x128xi32, #tpu.memory_space<vmem>>)
      tpu.yield
    }) : () -> ()
    %dma_start3A = arith.constant 0 : i32
    %dma_start3A_3 = arith.constant 0 : i32
    %dma_start3A_4 = arith.constant 0 : i32
    %dma_start3A_5 = arith.constant 0 : i32
    %dma_start3A_6 = arith.constant 0 : i32
    %dma_start3A_7 = tpu.memref_slice %arg6[%dma_start3A_3, %dma_start3A_5, %dma_start3A_6] : memref<6x128x128xf32, #tpu.memory_space<vmem>> -> memref<1x128x128xf32, #tpu.memory_space<vmem>>
    %dma_start3A_8 = tpu.memref_squeeze %dma_start3A_7 : memref<1x128x128xf32, #tpu.memory_space<vmem>> -> memref<128x128xf32, #tpu.memory_space<vmem>>
    %dma_start3A_9 = arith.constant 0 : i32
    %dma_start3A_10 = tpu.memref_slice %arg5[%dma_start3A, %dma_start3A_9] : memref<200x128xi32, #tpu.memory_space<vmem>> -> memref<1x128xi32, #tpu.memory_space<vmem>>
    %dma_start3A_11 = tpu.memref_squeeze %dma_start3A_10 : memref<1x128xi32, #tpu.memory_space<vmem>> -> memref<128xi32, #tpu.memory_space<vmem>>
    %dma_start3A_12 = arith.constant 0 : i32
    %dma_start3A_13 = arith.constant 0 : i32
    %dma_start3A_14 = tpu.memref_slice %arg3[%dma_start3A_12, %dma_start3A_13] : memref<100000x128xf32, #tpu.memory_space<hbm>> -> memref<100000x128xf32, #tpu.memory_space<hbm>>
    %dma_start3A_15 = tpu.memref_slice %arg7[%dma_start3A_4] : memref<6x!tpu.dma_semaphore, #tpu.memory_space<semaphore_mem>> -> memref<1x!tpu.dma_semaphore, #tpu.memory_space<semaphore_mem>>
    %dma_start3A_16 = tpu.memref_squeeze %dma_start3A_15 : memref<1x!tpu.dma_semaphore, #tpu.memory_space<semaphore_mem>> -> memref<!tpu.dma_semaphore, #tpu.memory_space<semaphore_mem>>
    tpu.enqueue_indirect_dma source(%dma_start3A_14 : memref<100000x128xf32, #tpu.memory_space<hbm>>) target(%dma_start3A_8 : memref<128x128xf32, #tpu.memory_space<vmem>>) offsets(%dma_start3A_11 : memref<128xi32, #tpu.memory_space<vmem>>) semaphore(%dma_start3A_16 : memref<!tpu.dma_semaphore, #tpu.memory_space<semaphore_mem>>)
    %dma_start3A_17 = arith.constant 1 : i32
    %dma_start3A_18 = arith.constant 1 : i32
    %dma_start3A_19 = arith.constant 1 : i32
    %dma_start3A_20 = arith.constant 0 : i32
    %dma_start3A_21 = arith.constant 0 : i32
    %dma_start3A_22 = tpu.memref_slice %arg6[%dma_start3A_18, %dma_start3A_20, %dma_start3A_21] : memref<6x128x128xf32, #tpu.memory_space<vmem>> -> memref<1x128x128xf32, #tpu.memory_space<vmem>>
    %dma_start3A_23 = tpu.memref_squeeze %dma_start3A_22 : memref<1x128x128xf32, #tpu.memory_space<vmem>> -> memref<128x128xf32, #tpu.memory_space<vmem>>
    %dma_start3A_24 = arith.constant 0 : i32
    %dma_start3A_25 = tpu.memref_slice %arg5[%dma_start3A_17, %dma_start3A_24] : memref<200x128xi32, #tpu.memory_space<vmem>> -> memref<1x128xi32, #tpu.memory_space<vmem>>
    %dma_start3A_26 = tpu.memref_squeeze %dma_start3A_25 : memref<1x128xi32, #tpu.memory_space<vmem>> -> memref<128xi32, #tpu.memory_space<vmem>>
    %dma_start3A_27 = arith.constant 0 : i32
    %dma_start3A_28 = arith.constant 0 : i32
    %dma_start3A_29 = tpu.memref_slice %arg3[%dma_start3A_27, %dma_start3A_28] : memref<100000x128xf32, #tpu.memory_space<hbm>> -> memref<100000x128xf32, #tpu.memory_space<hbm>>
    %dma_start3A_30 = tpu.memref_slice %arg7[%dma_start3A_19] : memref<6x!tpu.dma_semaphore, #tpu.memory_space<semaphore_mem>> -> memref<1x!tpu.dma_semaphore, #tpu.memory_space<semaphore_mem>>
    %dma_start3A_31 = tpu.memref_squeeze %dma_start3A_30 : memref<1x!tpu.dma_semaphore, #tpu.memory_space<semaphore_mem>> -> memref<!tpu.dma_semaphore, #tpu.memory_space<semaphore_mem>>
    tpu.enqueue_indirect_dma source(%dma_start3A_29 : memref<100000x128xf32, #tpu.memory_space<hbm>>) target(%dma_start3A_23 : memref<128x128xf32, #tpu.memory_space<vmem>>) offsets(%dma_start3A_26 : memref<128xi32, #tpu.memory_space<vmem>>) semaphore(%dma_start3A_31 : memref<!tpu.dma_semaphore, #tpu.memory_space<semaphore_mem>>)
    %dma_start3A_32 = arith.constant 2 : i32
    %dma_start3A_33 = arith.constant 2 : i32
    %dma_start3A_34 = arith.constant 2 : i32
    %dma_start3A_35 = arith.constant 0 : i32
    %dma_start3A_36 = arith.constant 0 : i32
    %dma_start3A_37 = tpu.memref_slice %arg6[%dma_start3A_33, %dma_start3A_35, %dma_start3A_36] : memref<6x128x128xf32, #tpu.memory_space<vmem>> -> memref<1x128x128xf32, #tpu.memory_space<vmem>>
    %dma_start3A_38 = tpu.memref_squeeze %dma_start3A_37 : memref<1x128x128xf32, #tpu.memory_space<vmem>> -> memref<128x128xf32, #tpu.memory_space<vmem>>
    %dma_start3A_39 = arith.constant 0 : i32
    %dma_start3A_40 = tpu.memref_slice %arg5[%dma_start3A_32, %dma_start3A_39] : memref<200x128xi32, #tpu.memory_space<vmem>> -> memref<1x128xi32, #tpu.memory_space<vmem>>
    %dma_start3A_41 = tpu.memref_squeeze %dma_start3A_40 : memref<1x128xi32, #tpu.memory_space<vmem>> -> memref<128xi32, #tpu.memory_space<vmem>>
    %dma_start3A_42 = arith.constant 0 : i32
    %dma_start3A_43 = arith.constant 0 : i32
    %dma_start3A_44 = tpu.memref_slice %arg3[%dma_start3A_42, %dma_start3A_43] : memref<100000x128xf32, #tpu.memory_space<hbm>> -> memref<100000x128xf32, #tpu.memory_space<hbm>>
    %dma_start3A_45 = tpu.memref_slice %arg7[%dma_start3A_34] : memref<6x!tpu.dma_semaphore, #tpu.memory_space<semaphore_mem>> -> memref<1x!tpu.dma_semaphore, #tpu.memory_space<semaphore_mem>>
    %dma_start3A_46 = tpu.memref_squeeze %dma_start3A_45 : memref<1x!tpu.dma_semaphore, #tpu.memory_space<semaphore_mem>> -> memref<!tpu.dma_semaphore, #tpu.memory_space<semaphore_mem>>
    tpu.enqueue_indirect_dma source(%dma_start3A_44 : memref<100000x128xf32, #tpu.memory_space<hbm>>) target(%dma_start3A_38 : memref<128x128xf32, #tpu.memory_space<vmem>>) offsets(%dma_start3A_41 : memref<128xi32, #tpu.memory_space<vmem>>) semaphore(%dma_start3A_46 : memref<!tpu.dma_semaphore, #tpu.memory_space<semaphore_mem>>)
    %dma_wait3A = arith.constant 0 : i32
    %dma_wait3A_47 = arith.constant 0 : i32
    %dma_wait3A_48 = arith.constant 0 : i32
    %dma_wait3A_49 = arith.constant 0 : i32
    %dma_wait3A_50 = arith.constant 0 : i32
    %dma_wait3A_51 = tpu.memref_slice %arg6[%dma_wait3A_47, %dma_wait3A_49, %dma_wait3A_50] : memref<6x128x128xf32, #tpu.memory_space<vmem>> -> memref<1x128x128xf32, #tpu.memory_space<vmem>>
    %dma_wait3A_52 = tpu.memref_squeeze %dma_wait3A_51 : memref<1x128x128xf32, #tpu.memory_space<vmem>> -> memref<128x128xf32, #tpu.memory_space<vmem>>
    %dma_wait3A_53 = arith.constant 0 : i32
    %dma_wait3A_54 = tpu.memref_slice %arg5[%dma_wait3A, %dma_wait3A_53] : memref<200x128xi32, #tpu.memory_space<vmem>> -> memref<1x128xi32, #tpu.memory_space<vmem>>
    %dma_wait3A_55 = tpu.memref_squeeze %dma_wait3A_54 : memref<1x128xi32, #tpu.memory_space<vmem>> -> memref<128xi32, #tpu.memory_space<vmem>>
    %dma_wait3A_56 = arith.constant 0 : i32
    %dma_wait3A_57 = arith.constant 0 : i32
    %dma_wait3A_58 = tpu.memref_slice %arg3[%dma_wait3A_56, %dma_wait3A_57] : memref<100000x128xf32, #tpu.memory_space<hbm>> -> memref<100000x128xf32, #tpu.memory_space<hbm>>
    %dma_wait3A_59 = tpu.memref_slice %arg7[%dma_wait3A_48] : memref<6x!tpu.dma_semaphore, #tpu.memory_space<semaphore_mem>> -> memref<1x!tpu.dma_semaphore, #tpu.memory_space<semaphore_mem>>
    %dma_wait3A_60 = tpu.memref_squeeze %dma_wait3A_59 : memref<1x!tpu.dma_semaphore, #tpu.memory_space<semaphore_mem>> -> memref<!tpu.dma_semaphore, #tpu.memory_space<semaphore_mem>>
    tpu.wait_indirect_dma semaphore(%dma_wait3A_60 : memref<!tpu.dma_semaphore, #tpu.memory_space<semaphore_mem>>) src(%dma_wait3A_58 : memref<100000x128xf32, #tpu.memory_space<hbm>>) dst(%dma_wait3A_52 : memref<128x128xf32, #tpu.memory_space<vmem>>)
    %add3A_61 = arith.constant 0 : i32
    %add3A_62 = arith.addi %mul3A_2, %add3A_61 : i32
    %dma_start3A_63 = arith.constant 0 : i32
    %dma_start3A_64 = arith.constant 0 : i32
    %dma_start3A_65 = arith.constant 0 : i32
    %dma_start3A_66 = arith.constant 0 : i32
    %dma_start3A_67 = tpu.memref_slice %arg6[%dma_start3A_63, %dma_start3A_65, %dma_start3A_66] : memref<6x128x128xf32, #tpu.memory_space<vmem>> -> memref<1x128x128xf32, #tpu.memory_space<vmem>>
    %dma_start3A_68 = tpu.memref_squeeze %dma_start3A_67 : memref<1x128x128xf32, #tpu.memory_space<vmem>> -> memref<128x128xf32, #tpu.memory_space<vmem>>
    %dma_start3A_69 = arith.constant 0 : i32
    %dma_start3A_70 = tpu.memref_slice %arg4[%add3A_62, %dma_start3A_69] : memref<819200x128xf32, #tpu.memory_space<hbm>> -> memref<128x128xf32, #tpu.memory_space<hbm>>
    %dma_start3A_71 = tpu.memref_slice %arg8[%dma_start3A_64] : memref<6x!tpu.dma_semaphore, #tpu.memory_space<semaphore_mem>> -> memref<1x!tpu.dma_semaphore, #tpu.memory_space<semaphore_mem>>
    %dma_start3A_72 = tpu.memref_squeeze %dma_start3A_71 : memref<1x!tpu.dma_semaphore, #tpu.memory_space<semaphore_mem>> -> memref<!tpu.dma_semaphore, #tpu.memory_space<semaphore_mem>>
    %dma_start3A_73 = arith.constant 0 : i32
    %dma_start3A_74 = tpu.memref_slice %arg4[%add3A_62, %dma_start3A_73] : memref<819200x128xf32, #tpu.memory_space<hbm>> -> memref<128x128xf32, #tpu.memory_space<hbm>>
    %dma_start3A_75 = arith.constant 0 : i32
    %dma_start3A_76 = arith.constant 0 : i32
    %dma_start3A_77 = tpu.memref_slice %arg6[%dma_start3A_63, %dma_start3A_75, %dma_start3A_76] : memref<6x128x128xf32, #tpu.memory_space<vmem>> -> memref<1x128x128xf32, #tpu.memory_space<vmem>>
    %dma_start3A_78 = tpu.memref_squeeze %dma_start3A_77 : memref<1x128x128xf32, #tpu.memory_space<vmem>> -> memref<128x128xf32, #tpu.memory_space<vmem>>
    tpu.enqueue_dma source(%dma_start3A_78 : memref<128x128xf32, #tpu.memory_space<vmem>>) target(%dma_start3A_74 : memref<128x128xf32, #tpu.memory_space<hbm>>) target_semaphore(%dma_start3A_72 : memref<!tpu.dma_semaphore, #tpu.memory_space<semaphore_mem>>)
    %dma_start3A_79 = arith.constant 3 : i32
    %dma_start3A_80 = arith.constant 3 : i32
    %dma_start3A_81 = arith.constant 3 : i32
    %dma_start3A_82 = arith.constant 0 : i32
    %dma_start3A_83 = arith.constant 0 : i32
    %dma_start3A_84 = tpu.memref_slice %arg6[%dma_start3A_80, %dma_start3A_82, %dma_start3A_83] : memref<6x128x128xf32, #tpu.memory_space<vmem>> -> memref<1x128x128xf32, #tpu.memory_space<vmem>>
    %dma_start3A_85 = tpu.memref_squeeze %dma_start3A_84 : memref<1x128x128xf32, #tpu.memory_space<vmem>> -> memref<128x128xf32, #tpu.memory_space<vmem>>
    %dma_start3A_86 = arith.constant 0 : i32
    %dma_start3A_87 = tpu.memref_slice %arg5[%dma_start3A_79, %dma_start3A_86] : memref<200x128xi32, #tpu.memory_space<vmem>> -> memref<1x128xi32, #tpu.memory_space<vmem>>
    %dma_start3A_88 = tpu.memref_squeeze %dma_start3A_87 : memref<1x128xi32, #tpu.memory_space<vmem>> -> memref<128xi32, #tpu.memory_space<vmem>>
    %dma_start3A_89 = arith.constant 0 : i32
    %dma_start3A_90 = arith.constant 0 : i32
    %dma_start3A_91 = tpu.memref_slice %arg3[%dma_start3A_89, %dma_start3A_90] : memref<100000x128xf32, #tpu.memory_space<hbm>> -> memref<100000x128xf32, #tpu.memory_space<hbm>>
    %dma_start3A_92 = tpu.memref_slice %arg7[%dma_start3A_81] : memref<6x!tpu.dma_semaphore, #tpu.memory_space<semaphore_mem>> -> memref<1x!tpu.dma_semaphore, #tpu.memory_space<semaphore_mem>>
    %dma_start3A_93 = tpu.memref_squeeze %dma_start3A_92 : memref<1x!tpu.dma_semaphore, #tpu.memory_space<semaphore_mem>> -> memref<!tpu.dma_semaphore, #tpu.memory_space<semaphore_mem>>
    tpu.enqueue_indirect_dma source(%dma_start3A_91 : memref<100000x128xf32, #tpu.memory_space<hbm>>) target(%dma_start3A_85 : memref<128x128xf32, #tpu.memory_space<vmem>>) offsets(%dma_start3A_88 : memref<128xi32, #tpu.memory_space<vmem>>) semaphore(%dma_start3A_93 : memref<!tpu.dma_semaphore, #tpu.memory_space<semaphore_mem>>)
    %dma_wait3A_94 = arith.constant 1 : i32
    %dma_wait3A_95 = arith.constant 1 : i32
    %dma_wait3A_96 = arith.constant 1 : i32
    %dma_wait3A_97 = arith.constant 0 : i32
    %dma_wait3A_98 = arith.constant 0 : i32
    %dma_wait3A_99 = tpu.memref_slice %arg6[%dma_wait3A_95, %dma_wait3A_97, %dma_wait3A_98] : memref<6x128x128xf32, #tpu.memory_space<vmem>> -> memref<1x128x128xf32, #tpu.memory_space<vmem>>
    %dma_wait3A_100 = tpu.memref_squeeze %dma_wait3A_99 : memref<1x128x128xf32, #tpu.memory_space<vmem>> -> memref<128x128xf32, #tpu.memory_space<vmem>>
    %dma_wait3A_101 = arith.constant 0 : i32
    %dma_wait3A_102 = tpu.memref_slice %arg5[%dma_wait3A_94, %dma_wait3A_101] : memref<200x128xi32, #tpu.memory_space<vmem>> -> memref<1x128xi32, #tpu.memory_space<vmem>>
    %dma_wait3A_103 = tpu.memref_squeeze %dma_wait3A_102 : memref<1x128xi32, #tpu.memory_space<vmem>> -> memref<128xi32, #tpu.memory_space<vmem>>
    %dma_wait3A_104 = arith.constant 0 : i32
    %dma_wait3A_105 = arith.constant 0 : i32
    %dma_wait3A_106 = tpu.memref_slice %arg3[%dma_wait3A_104, %dma_wait3A_105] : memref<100000x128xf32, #tpu.memory_space<hbm>> -> memref<100000x128xf32, #tpu.memory_space<hbm>>
    %dma_wait3A_107 = tpu.memref_slice %arg7[%dma_wait3A_96] : memref<6x!tpu.dma_semaphore, #tpu.memory_space<semaphore_mem>> -> memref<1x!tpu.dma_semaphore, #tpu.memory_space<semaphore_mem>>
    %dma_wait3A_108 = tpu.memref_squeeze %dma_wait3A_107 : memref<1x!tpu.dma_semaphore, #tpu.memory_space<semaphore_mem>> -> memref<!tpu.dma_semaphore, #tpu.memory_space<semaphore_mem>>
    tpu.wait_indirect_dma semaphore(%dma_wait3A_108 : memref<!tpu.dma_semaphore, #tpu.memory_space<semaphore_mem>>) src(%dma_wait3A_106 : memref<100000x128xf32, #tpu.memory_space<hbm>>) dst(%dma_wait3A_100 : memref<128x128xf32, #tpu.memory_space<vmem>>)
    %add3A_109 = arith.constant 128 : i32
    %add3A_110 = arith.addi %mul3A_2, %add3A_109 : i32
    %dma_start3A_111 = arith.constant 1 : i32
    %dma_start3A_112 = arith.constant 1 : i32
    %dma_start3A_113 = arith.constant 0 : i32
    %dma_start3A_114 = arith.constant 0 : i32
    %dma_start3A_115 = tpu.memref_slice %arg6[%dma_start3A_111, %dma_start3A_113, %dma_start3A_114] : memref<6x128x128xf32, #tpu.memory_space<vmem>> -> memref<1x128x128xf32, #tpu.memory_space<vmem>>
    %dma_start3A_116 = tpu.memref_squeeze %dma_start3A_115 : memref<1x128x128xf32, #tpu.memory_space<vmem>> -> memref<128x128xf32, #tpu.memory_space<vmem>>
    %dma_start3A_117 = arith.constant 0 : i32
    %dma_start3A_118 = tpu.memref_slice %arg4[%add3A_110, %dma_start3A_117] : memref<819200x128xf32, #tpu.memory_space<hbm>> -> memref<128x128xf32, #tpu.memory_space<hbm>>
    %dma_start3A_119 = tpu.memref_slice %arg8[%dma_start3A_112] : memref<6x!tpu.dma_semaphore, #tpu.memory_space<semaphore_mem>> -> memref<1x!tpu.dma_semaphore, #tpu.memory_space<semaphore_mem>>
    %dma_start3A_120 = tpu.memref_squeeze %dma_start3A_119 : memref<1x!tpu.dma_semaphore, #tpu.memory_space<semaphore_mem>> -> memref<!tpu.dma_semaphore, #tpu.memory_space<semaphore_mem>>
    %dma_start3A_121 = arith.constant 0 : i32
    %dma_start3A_122 = tpu.memref_slice %arg4[%add3A_110, %dma_start3A_121] : memref<819200x128xf32, #tpu.memory_space<hbm>> -> memref<128x128xf32, #tpu.memory_space<hbm>>
    %dma_start3A_123 = arith.constant 0 : i32
    %dma_start3A_124 = arith.constant 0 : i32
    %dma_start3A_125 = tpu.memref_slice %arg6[%dma_start3A_111, %dma_start3A_123, %dma_start3A_124] : memref<6x128x128xf32, #tpu.memory_space<vmem>> -> memref<1x128x128xf32, #tpu.memory_space<vmem>>
    %dma_start3A_126 = tpu.memref_squeeze %dma_start3A_125 : memref<1x128x128xf32, #tpu.memory_space<vmem>> -> memref<128x128xf32, #tpu.memory_space<vmem>>
    tpu.enqueue_dma source(%dma_start3A_126 : memref<128x128xf32, #tpu.memory_space<vmem>>) target(%dma_start3A_122 : memref<128x128xf32, #tpu.memory_space<hbm>>) target_semaphore(%dma_start3A_120 : memref<!tpu.dma_semaphore, #tpu.memory_space<semaphore_mem>>)
    %dma_start3A_127 = arith.constant 4 : i32
    %dma_start3A_128 = arith.constant 4 : i32
    %dma_start3A_129 = arith.constant 4 : i32
    %dma_start3A_130 = arith.constant 0 : i32
    %dma_start3A_131 = arith.constant 0 : i32
    %dma_start3A_132 = tpu.memref_slice %arg6[%dma_start3A_128, %dma_start3A_130, %dma_start3A_131] : memref<6x128x128xf32, #tpu.memory_space<vmem>> -> memref<1x128x128xf32, #tpu.memory_space<vmem>>
    %dma_start3A_133 = tpu.memref_squeeze %dma_start3A_132 : memref<1x128x128xf32, #tpu.memory_space<vmem>> -> memref<128x128xf32, #tpu.memory_space<vmem>>
    %dma_start3A_134 = arith.constant 0 : i32
    %dma_start3A_135 = tpu.memref_slice %arg5[%dma_start3A_127, %dma_start3A_134] : memref<200x128xi32, #tpu.memory_space<vmem>> -> memref<1x128xi32, #tpu.memory_space<vmem>>
    %dma_start3A_136 = tpu.memref_squeeze %dma_start3A_135 : memref<1x128xi32, #tpu.memory_space<vmem>> -> memref<128xi32, #tpu.memory_space<vmem>>
    %dma_start3A_137 = arith.constant 0 : i32
    %dma_start3A_138 = arith.constant 0 : i32
    %dma_start3A_139 = tpu.memref_slice %arg3[%dma_start3A_137, %dma_start3A_138] : memref<100000x128xf32, #tpu.memory_space<hbm>> -> memref<100000x128xf32, #tpu.memory_space<hbm>>
    %dma_start3A_140 = tpu.memref_slice %arg7[%dma_start3A_129] : memref<6x!tpu.dma_semaphore, #tpu.memory_space<semaphore_mem>> -> memref<1x!tpu.dma_semaphore, #tpu.memory_space<semaphore_mem>>
    %dma_start3A_141 = tpu.memref_squeeze %dma_start3A_140 : memref<1x!tpu.dma_semaphore, #tpu.memory_space<semaphore_mem>> -> memref<!tpu.dma_semaphore, #tpu.memory_space<semaphore_mem>>
    tpu.enqueue_indirect_dma source(%dma_start3A_139 : memref<100000x128xf32, #tpu.memory_space<hbm>>) target(%dma_start3A_133 : memref<128x128xf32, #tpu.memory_space<vmem>>) offsets(%dma_start3A_136 : memref<128xi32, #tpu.memory_space<vmem>>) semaphore(%dma_start3A_141 : memref<!tpu.dma_semaphore, #tpu.memory_space<semaphore_mem>>)
    %dma_wait3A_142 = arith.constant 2 : i32
    %dma_wait3A_143 = arith.constant 2 : i32
    %dma_wait3A_144 = arith.constant 2 : i32
    %dma_wait3A_145 = arith.constant 0 : i32
    %dma_wait3A_146 = arith.constant 0 : i32
    %dma_wait3A_147 = tpu.memref_slice %arg6[%dma_wait3A_143, %dma_wait3A_145, %dma_wait3A_146] : memref<6x128x128xf32, #tpu.memory_space<vmem>> -> memref<1x128x128xf32, #tpu.memory_space<vmem>>
    %dma_wait3A_148 = tpu.memref_squeeze %dma_wait3A_147 : memref<1x128x128xf32, #tpu.memory_space<vmem>> -> memref<128x128xf32, #tpu.memory_space<vmem>>
    %dma_wait3A_149 = arith.constant 0 : i32
    %dma_wait3A_150 = tpu.memref_slice %arg5[%dma_wait3A_142, %dma_wait3A_149] : memref<200x128xi32, #tpu.memory_space<vmem>> -> memref<1x128xi32, #tpu.memory_space<vmem>>
    %dma_wait3A_151 = tpu.memref_squeeze %dma_wait3A_150 : memref<1x128xi32, #tpu.memory_space<vmem>> -> memref<128xi32, #tpu.memory_space<vmem>>
    %dma_wait3A_152 = arith.constant 0 : i32
    %dma_wait3A_153 = arith.constant 0 : i32
    %dma_wait3A_154 = tpu.memref_slice %arg3[%dma_wait3A_152, %dma_wait3A_153] : memref<100000x128xf32, #tpu.memory_space<hbm>> -> memref<100000x128xf32, #tpu.memory_space<hbm>>
    %dma_wait3A_155 = tpu.memref_slice %arg7[%dma_wait3A_144] : memref<6x!tpu.dma_semaphore, #tpu.memory_space<semaphore_mem>> -> memref<1x!tpu.dma_semaphore, #tpu.memory_space<semaphore_mem>>
    %dma_wait3A_156 = tpu.memref_squeeze %dma_wait3A_155 : memref<1x!tpu.dma_semaphore, #tpu.memory_space<semaphore_mem>> -> memref<!tpu.dma_semaphore, #tpu.memory_space<semaphore_mem>>
    tpu.wait_indirect_dma semaphore(%dma_wait3A_156 : memref<!tpu.dma_semaphore, #tpu.memory_space<semaphore_mem>>) src(%dma_wait3A_154 : memref<100000x128xf32, #tpu.memory_space<hbm>>) dst(%dma_wait3A_148 : memref<128x128xf32, #tpu.memory_space<vmem>>)
    %add3A_157 = arith.constant 256 : i32
    %add3A_158 = arith.addi %mul3A_2, %add3A_157 : i32
    %dma_start3A_159 = arith.constant 2 : i32
    %dma_start3A_160 = arith.constant 2 : i32
    %dma_start3A_161 = arith.constant 0 : i32
    %dma_start3A_162 = arith.constant 0 : i32
    %dma_start3A_163 = tpu.memref_slice %arg6[%dma_start3A_159, %dma_start3A_161, %dma_start3A_162] : memref<6x128x128xf32, #tpu.memory_space<vmem>> -> memref<1x128x128xf32, #tpu.memory_space<vmem>>
    %dma_start3A_164 = tpu.memref_squeeze %dma_start3A_163 : memref<1x128x128xf32, #tpu.memory_space<vmem>> -> memref<128x128xf32, #tpu.memory_space<vmem>>
    %dma_start3A_165 = arith.constant 0 : i32
    %dma_start3A_166 = tpu.memref_slice %arg4[%add3A_158, %dma_start3A_165] : memref<819200x128xf32, #tpu.memory_space<hbm>> -> memref<128x128xf32, #tpu.memory_space<hbm>>
    %dma_start3A_167 = tpu.memref_slice %arg8[%dma_start3A_160] : memref<6x!tpu.dma_semaphore, #tpu.memory_space<semaphore_mem>> -> memref<1x!tpu.dma_semaphore, #tpu.memory_space<semaphore_mem>>
    %dma_start3A_168 = tpu.memref_squeeze %dma_start3A_167 : memref<1x!tpu.dma_semaphore, #tpu.memory_space<semaphore_mem>> -> memref<!tpu.dma_semaphore, #tpu.memory_space<semaphore_mem>>
    %dma_start3A_169 = arith.constant 0 : i32
    %dma_start3A_170 = tpu.memref_slice %arg4[%add3A_158, %dma_start3A_169] : memref<819200x128xf32, #tpu.memory_space<hbm>> -> memref<128x128xf32, #tpu.memory_space<hbm>>
    %dma_start3A_171 = arith.constant 0 : i32
    %dma_start3A_172 = arith.constant 0 : i32
    %dma_start3A_173 = tpu.memref_slice %arg6[%dma_start3A_159, %dma_start3A_171, %dma_start3A_172] : memref<6x128x128xf32, #tpu.memory_space<vmem>> -> memref<1x128x128xf32, #tpu.memory_space<vmem>>
    %dma_start3A_174 = tpu.memref_squeeze %dma_start3A_173 : memref<1x128x128xf32, #tpu.memory_space<vmem>> -> memref<128x128xf32, #tpu.memory_space<vmem>>
    tpu.enqueue_dma source(%dma_start3A_174 : memref<128x128xf32, #tpu.memory_space<vmem>>) target(%dma_start3A_170 : memref<128x128xf32, #tpu.memory_space<hbm>>) target_semaphore(%dma_start3A_168 : memref<!tpu.dma_semaphore, #tpu.memory_space<semaphore_mem>>)
    %dma_start3A_175 = arith.constant 5 : i32
    %dma_start3A_176 = arith.constant 5 : i32
    %dma_start3A_177 = arith.constant 5 : i32
    %dma_start3A_178 = arith.constant 0 : i32
    %dma_start3A_179 = arith.constant 0 : i32
    %dma_start3A_180 = tpu.memref_slice %arg6[%dma_start3A_176, %dma_start3A_178, %dma_start3A_179] : memref<6x128x128xf32, #tpu.memory_space<vmem>> -> memref<1x128x128xf32, #tpu.memory_space<vmem>>
    %dma_start3A_181 = tpu.memref_squeeze %dma_start3A_180 : memref<1x128x128xf32, #tpu.memory_space<vmem>> -> memref<128x128xf32, #tpu.memory_space<vmem>>
    %dma_start3A_182 = arith.constant 0 : i32
    %dma_start3A_183 = tpu.memref_slice %arg5[%dma_start3A_175, %dma_start3A_182] : memref<200x128xi32, #tpu.memory_space<vmem>> -> memref<1x128xi32, #tpu.memory_space<vmem>>
    %dma_start3A_184 = tpu.memref_squeeze %dma_start3A_183 : memref<1x128xi32, #tpu.memory_space<vmem>> -> memref<128xi32, #tpu.memory_space<vmem>>
    %dma_start3A_185 = arith.constant 0 : i32
    %dma_start3A_186 = arith.constant 0 : i32
    %dma_start3A_187 = tpu.memref_slice %arg3[%dma_start3A_185, %dma_start3A_186] : memref<100000x128xf32, #tpu.memory_space<hbm>> -> memref<100000x128xf32, #tpu.memory_space<hbm>>
    %dma_start3A_188 = tpu.memref_slice %arg7[%dma_start3A_177] : memref<6x!tpu.dma_semaphore, #tpu.memory_space<semaphore_mem>> -> memref<1x!tpu.dma_semaphore, #tpu.memory_space<semaphore_mem>>
    %dma_start3A_189 = tpu.memref_squeeze %dma_start3A_188 : memref<1x!tpu.dma_semaphore, #tpu.memory_space<semaphore_mem>> -> memref<!tpu.dma_semaphore, #tpu.memory_space<semaphore_mem>>
    tpu.enqueue_indirect_dma source(%dma_start3A_187 : memref<100000x128xf32, #tpu.memory_space<hbm>>) target(%dma_start3A_181 : memref<128x128xf32, #tpu.memory_space<vmem>>) offsets(%dma_start3A_184 : memref<128xi32, #tpu.memory_space<vmem>>) semaphore(%dma_start3A_189 : memref<!tpu.dma_semaphore, #tpu.memory_space<semaphore_mem>>)
    %scan3A = arith.constant 0 : i32
    %scan3A_190 = arith.constant 0 : i32
    %scan3A_191 = arith.constant 32 : i32
    %scan3A_192 = arith.addi %scan3A_190, %scan3A_191 : i32
    %scan3A_193 = arith.constant 1 : i32
    scf.for %scan3A_534 = %scan3A_190 to %scan3A_192 step %scan3A_193  : i32 {
      %mul3A_535 = arith.constant 6 : i32
      %mul3A_536 = arith.muli %scan3A_534, %mul3A_535 : i32
      %add3A_537 = arith.constant 6 : i32
      %add3A_538 = arith.addi %add3A_537, %mul3A_536 : i32
      %add3A_539 = arith.constant 0 : i32
      %add3A_540 = arith.addi %add3A_538, %add3A_539 : i32
      %sub3A = arith.constant 3 : i32
      %sub3A_541 = arith.subi %add3A_540, %sub3A : i32
      %dma_wait3A_542 = arith.constant 3 : i32
      %dma_wait3A_543 = arith.constant 3 : i32
      %dma_wait3A_544 = arith.constant 0 : i32
      %dma_wait3A_545 = arith.constant 0 : i32
      %dma_wait3A_546 = tpu.memref_slice %arg6[%dma_wait3A_542, %dma_wait3A_544, %dma_wait3A_545] : memref<6x128x128xf32, #tpu.memory_space<vmem>> -> memref<1x128x128xf32, #tpu.memory_space<vmem>>
      %dma_wait3A_547 = tpu.memref_squeeze %dma_wait3A_546 : memref<1x128x128xf32, #tpu.memory_space<vmem>> -> memref<128x128xf32, #tpu.memory_space<vmem>>
      %dma_wait3A_548 = arith.constant 0 : i32
      %dma_wait3A_549 = tpu.memref_slice %arg5[%sub3A_541, %dma_wait3A_548] : memref<200x128xi32, #tpu.memory_space<vmem>> -> memref<1x128xi32, #tpu.memory_space<vmem>>
      %dma_wait3A_550 = tpu.memref_squeeze %dma_wait3A_549 : memref<1x128xi32, #tpu.memory_space<vmem>> -> memref<128xi32, #tpu.memory_space<vmem>>
      %dma_wait3A_551 = arith.constant 0 : i32
      %dma_wait3A_552 = arith.constant 0 : i32
      %dma_wait3A_553 = tpu.memref_slice %arg3[%dma_wait3A_551, %dma_wait3A_552] : memref<100000x128xf32, #tpu.memory_space<hbm>> -> memref<100000x128xf32, #tpu.memory_space<hbm>>
      %dma_wait3A_554 = tpu.memref_slice %arg7[%dma_wait3A_543] : memref<6x!tpu.dma_semaphore, #tpu.memory_space<semaphore_mem>> -> memref<1x!tpu.dma_semaphore, #tpu.memory_space<semaphore_mem>>
      %dma_wait3A_555 = tpu.memref_squeeze %dma_wait3A_554 : memref<1x!tpu.dma_semaphore, #tpu.memory_space<semaphore_mem>> -> memref<!tpu.dma_semaphore, #tpu.memory_space<semaphore_mem>>
      tpu.wait_indirect_dma semaphore(%dma_wait3A_555 : memref<!tpu.dma_semaphore, #tpu.memory_space<semaphore_mem>>) src(%dma_wait3A_553 : memref<100000x128xf32, #tpu.memory_space<hbm>>) dst(%dma_wait3A_547 : memref<128x128xf32, #tpu.memory_space<vmem>>)
      %sub3A_556 = arith.constant 3 : i32
      %sub3A_557 = arith.subi %add3A_540, %sub3A_556 : i32
      %mul3A_558 = arith.constant 128 : i32
      %mul3A_559 = arith.muli %sub3A_557, %mul3A_558 : i32
      %add3A_560 = arith.addi %mul3A_2, %mul3A_559 : i32
      %dma_start3A_561 = arith.constant 3 : i32
      %dma_start3A_562 = arith.constant 3 : i32
      %dma_start3A_563 = arith.constant 0 : i32
      %dma_start3A_564 = arith.constant 0 : i32
      %dma_start3A_565 = tpu.memref_slice %arg6[%dma_start3A_561, %dma_start3A_563, %dma_start3A_564] : memref<6x128x128xf32, #tpu.memory_space<vmem>> -> memref<1x128x128xf32, #tpu.memory_space<vmem>>
      %dma_start3A_566 = tpu.memref_squeeze %dma_start3A_565 : memref<1x128x128xf32, #tpu.memory_space<vmem>> -> memref<128x128xf32, #tpu.memory_space<vmem>>
      %dma_start3A_567 = arith.constant 0 : i32
      %dma_start3A_568 = tpu.memref_slice %arg4[%add3A_560, %dma_start3A_567] : memref<819200x128xf32, #tpu.memory_space<hbm>> -> memref<128x128xf32, #tpu.memory_space<hbm>>
      %dma_start3A_569 = tpu.memref_slice %arg8[%dma_start3A_562] : memref<6x!tpu.dma_semaphore, #tpu.memory_space<semaphore_mem>> -> memref<1x!tpu.dma_semaphore, #tpu.memory_space<semaphore_mem>>
      %dma_start3A_570 = tpu.memref_squeeze %dma_start3A_569 : memref<1x!tpu.dma_semaphore, #tpu.memory_space<semaphore_mem>> -> memref<!tpu.dma_semaphore, #tpu.memory_space<semaphore_mem>>
      %dma_start3A_571 = arith.constant 0 : i32
      %dma_start3A_572 = tpu.memref_slice %arg4[%add3A_560, %dma_start3A_571] : memref<819200x128xf32, #tpu.memory_space<hbm>> -> memref<128x128xf32, #tpu.memory_space<hbm>>
      %dma_start3A_573 = arith.constant 0 : i32
      %dma_start3A_574 = arith.constant 0 : i32
      %dma_start3A_575 = tpu.memref_slice %arg6[%dma_start3A_561, %dma_start3A_573, %dma_start3A_574] : memref<6x128x128xf32, #tpu.memory_space<vmem>> -> memref<1x128x128xf32, #tpu.memory_space<vmem>>
      %dma_start3A_576 = tpu.memref_squeeze %dma_start3A_575 : memref<1x128x128xf32, #tpu.memory_space<vmem>> -> memref<128x128xf32, #tpu.memory_space<vmem>>
      tpu.enqueue_dma source(%dma_start3A_576 : memref<128x128xf32, #tpu.memory_space<vmem>>) target(%dma_start3A_572 : memref<128x128xf32, #tpu.memory_space<hbm>>) target_semaphore(%dma_start3A_570 : memref<!tpu.dma_semaphore, #tpu.memory_space<semaphore_mem>>)
      %sub3A_577 = arith.constant 6 : i32
      %sub3A_578 = arith.subi %add3A_540, %sub3A_577 : i32
      %mul3A_579 = arith.constant 128 : i32
      %mul3A_580 = arith.muli %sub3A_578, %mul3A_579 : i32
      %add3A_581 = arith.addi %mul3A_2, %mul3A_580 : i32
      %dma_wait3A_582 = arith.constant 0 : i32
      %dma_wait3A_583 = arith.constant 0 : i32
      %dma_wait3A_584 = arith.constant 0 : i32
      %dma_wait3A_585 = arith.constant 0 : i32
      %dma_wait3A_586 = tpu.memref_slice %arg6[%dma_wait3A_582, %dma_wait3A_584, %dma_wait3A_585] : memref<6x128x128xf32, #tpu.memory_space<vmem>> -> memref<1x128x128xf32, #tpu.memory_space<vmem>>
      %dma_wait3A_587 = tpu.memref_squeeze %dma_wait3A_586 : memref<1x128x128xf32, #tpu.memory_space<vmem>> -> memref<128x128xf32, #tpu.memory_space<vmem>>
      %dma_wait3A_588 = arith.constant 0 : i32
      %dma_wait3A_589 = tpu.memref_slice %arg4[%add3A_581, %dma_wait3A_588] : memref<819200x128xf32, #tpu.memory_space<hbm>> -> memref<128x128xf32, #tpu.memory_space<hbm>>
      %dma_wait3A_590 = tpu.memref_slice %arg8[%dma_wait3A_583] : memref<6x!tpu.dma_semaphore, #tpu.memory_space<semaphore_mem>> -> memref<1x!tpu.dma_semaphore, #tpu.memory_space<semaphore_mem>>
      %dma_wait3A_591 = tpu.memref_squeeze %dma_wait3A_590 : memref<1x!tpu.dma_semaphore, #tpu.memory_space<semaphore_mem>> -> memref<!tpu.dma_semaphore, #tpu.memory_space<semaphore_mem>>
      %dma_wait3A_592 = arith.constant 0 : i32
      %dma_wait3A_593 = tpu.memref_slice %arg4[%add3A_581, %dma_wait3A_592] : memref<819200x128xf32, #tpu.memory_space<hbm>> -> memref<128x128xf32, #tpu.memory_space<hbm>>
      %dma_wait3A_594 = arith.constant 0 : i32
      %dma_wait3A_595 = arith.constant 0 : i32
      %dma_wait3A_596 = tpu.memref_slice %arg6[%dma_wait3A_582, %dma_wait3A_594, %dma_wait3A_595] : memref<6x128x128xf32, #tpu.memory_space<vmem>> -> memref<1x128x128xf32, #tpu.memory_space<vmem>>
      %dma_wait3A_597 = tpu.memref_squeeze %dma_wait3A_596 : memref<1x128x128xf32, #tpu.memory_space<vmem>> -> memref<128x128xf32, #tpu.memory_space<vmem>>
      tpu.wait_dma2 semaphore(%dma_wait3A_591 : memref<!tpu.dma_semaphore, #tpu.memory_space<semaphore_mem>>) src(%dma_wait3A_597 : memref<128x128xf32, #tpu.memory_space<vmem>>) dst(%dma_wait3A_593 : memref<128x128xf32, #tpu.memory_space<hbm>>)
      %dma_start3A_598 = arith.constant 0 : i32
      %dma_start3A_599 = arith.constant 0 : i32
      %dma_start3A_600 = arith.constant 0 : i32
      %dma_start3A_601 = arith.constant 0 : i32
      %dma_start3A_602 = tpu.memref_slice %arg6[%dma_start3A_598, %dma_start3A_600, %dma_start3A_601] : memref<6x128x128xf32, #tpu.memory_space<vmem>> -> memref<1x128x128xf32, #tpu.memory_space<vmem>>
      %dma_start3A_603 = tpu.memref_squeeze %dma_start3A_602 : memref<1x128x128xf32, #tpu.memory_space<vmem>> -> memref<128x128xf32, #tpu.memory_space<vmem>>
      %dma_start3A_604 = arith.constant 0 : i32
      %dma_start3A_605 = tpu.memref_slice %arg5[%add3A_540, %dma_start3A_604] : memref<200x128xi32, #tpu.memory_space<vmem>> -> memref<1x128xi32, #tpu.memory_space<vmem>>
      %dma_start3A_606 = tpu.memref_squeeze %dma_start3A_605 : memref<1x128xi32, #tpu.memory_space<vmem>> -> memref<128xi32, #tpu.memory_space<vmem>>
      %dma_start3A_607 = arith.constant 0 : i32
      %dma_start3A_608 = arith.constant 0 : i32
      %dma_start3A_609 = tpu.memref_slice %arg3[%dma_start3A_607, %dma_start3A_608] : memref<100000x128xf32, #tpu.memory_space<hbm>> -> memref<100000x128xf32, #tpu.memory_space<hbm>>
      %dma_start3A_610 = tpu.memref_slice %arg7[%dma_start3A_599] : memref<6x!tpu.dma_semaphore, #tpu.memory_space<semaphore_mem>> -> memref<1x!tpu.dma_semaphore, #tpu.memory_space<semaphore_mem>>
      %dma_start3A_611 = tpu.memref_squeeze %dma_start3A_610 : memref<1x!tpu.dma_semaphore, #tpu.memory_space<semaphore_mem>> -> memref<!tpu.dma_semaphore, #tpu.memory_space<semaphore_mem>>
      tpu.enqueue_indirect_dma source(%dma_start3A_609 : memref<100000x128xf32, #tpu.memory_space<hbm>>) target(%dma_start3A_603 : memref<128x128xf32, #tpu.memory_space<vmem>>) offsets(%dma_start3A_606 : memref<128xi32, #tpu.memory_space<vmem>>) semaphore(%dma_start3A_611 : memref<!tpu.dma_semaphore, #tpu.memory_space<semaphore_mem>>)
      %add3A_612 = arith.constant 1 : i32
      %add3A_613 = arith.addi %add3A_538, %add3A_612 : i32
      %sub3A_614 = arith.constant 3 : i32
      %sub3A_615 = arith.subi %add3A_613, %sub3A_614 : i32
      %dma_wait3A_616 = arith.constant 4 : i32
      %dma_wait3A_617 = arith.constant 4 : i32
      %dma_wait3A_618 = arith.constant 0 : i32
      %dma_wait3A_619 = arith.constant 0 : i32
      %dma_wait3A_620 = tpu.memref_slice %arg6[%dma_wait3A_616, %dma_wait3A_618, %dma_wait3A_619] : memref<6x128x128xf32, #tpu.memory_space<vmem>> -> memref<1x128x128xf32, #tpu.memory_space<vmem>>
      %dma_wait3A_621 = tpu.memref_squeeze %dma_wait3A_620 : memref<1x128x128xf32, #tpu.memory_space<vmem>> -> memref<128x128xf32, #tpu.memory_space<vmem>>
      %dma_wait3A_622 = arith.constant 0 : i32
      %dma_wait3A_623 = tpu.memref_slice %arg5[%sub3A_615, %dma_wait3A_622] : memref<200x128xi32, #tpu.memory_space<vmem>> -> memref<1x128xi32, #tpu.memory_space<vmem>>
      %dma_wait3A_624 = tpu.memref_squeeze %dma_wait3A_623 : memref<1x128xi32, #tpu.memory_space<vmem>> -> memref<128xi32, #tpu.memory_space<vmem>>
      %dma_wait3A_625 = arith.constant 0 : i32
      %dma_wait3A_626 = arith.constant 0 : i32
      %dma_wait3A_627 = tpu.memref_slice %arg3[%dma_wait3A_625, %dma_wait3A_626] : memref<100000x128xf32, #tpu.memory_space<hbm>> -> memref<100000x128xf32, #tpu.memory_space<hbm>>
      %dma_wait3A_628 = tpu.memref_slice %arg7[%dma_wait3A_617] : memref<6x!tpu.dma_semaphore, #tpu.memory_space<semaphore_mem>> -> memref<1x!tpu.dma_semaphore, #tpu.memory_space<semaphore_mem>>
      %dma_wait3A_629 = tpu.memref_squeeze %dma_wait3A_628 : memref<1x!tpu.dma_semaphore, #tpu.memory_space<semaphore_mem>> -> memref<!tpu.dma_semaphore, #tpu.memory_space<semaphore_mem>>
      tpu.wait_indirect_dma semaphore(%dma_wait3A_629 : memref<!tpu.dma_semaphore, #tpu.memory_space<semaphore_mem>>) src(%dma_wait3A_627 : memref<100000x128xf32, #tpu.memory_space<hbm>>) dst(%dma_wait3A_621 : memref<128x128xf32, #tpu.memory_space<vmem>>)
      %sub3A_630 = arith.constant 3 : i32
      %sub3A_631 = arith.subi %add3A_613, %sub3A_630 : i32
      %mul3A_632 = arith.constant 128 : i32
      %mul3A_633 = arith.muli %sub3A_631, %mul3A_632 : i32
      %add3A_634 = arith.addi %mul3A_2, %mul3A_633 : i32
      %dma_start3A_635 = arith.constant 4 : i32
      %dma_start3A_636 = arith.constant 4 : i32
      %dma_start3A_637 = arith.constant 0 : i32
      %dma_start3A_638 = arith.constant 0 : i32
      %dma_start3A_639 = tpu.memref_slice %arg6[%dma_start3A_635, %dma_start3A_637, %dma_start3A_638] : memref<6x128x128xf32, #tpu.memory_space<vmem>> -> memref<1x128x128xf32, #tpu.memory_space<vmem>>
      %dma_start3A_640 = tpu.memref_squeeze %dma_start3A_639 : memref<1x128x128xf32, #tpu.memory_space<vmem>> -> memref<128x128xf32, #tpu.memory_space<vmem>>
      %dma_start3A_641 = arith.constant 0 : i32
      %dma_start3A_642 = tpu.memref_slice %arg4[%add3A_634, %dma_start3A_641] : memref<819200x128xf32, #tpu.memory_space<hbm>> -> memref<128x128xf32, #tpu.memory_space<hbm>>
      %dma_start3A_643 = tpu.memref_slice %arg8[%dma_start3A_636] : memref<6x!tpu.dma_semaphore, #tpu.memory_space<semaphore_mem>> -> memref<1x!tpu.dma_semaphore, #tpu.memory_space<semaphore_mem>>
      %dma_start3A_644 = tpu.memref_squeeze %dma_start3A_643 : memref<1x!tpu.dma_semaphore, #tpu.memory_space<semaphore_mem>> -> memref<!tpu.dma_semaphore, #tpu.memory_space<semaphore_mem>>
      %dma_start3A_645 = arith.constant 0 : i32
      %dma_start3A_646 = tpu.memref_slice %arg4[%add3A_634, %dma_start3A_645] : memref<819200x128xf32, #tpu.memory_space<hbm>> -> memref<128x128xf32, #tpu.memory_space<hbm>>
      %dma_start3A_647 = arith.constant 0 : i32
      %dma_start3A_648 = arith.constant 0 : i32
      %dma_start3A_649 = tpu.memref_slice %arg6[%dma_start3A_635, %dma_start3A_647, %dma_start3A_648] : memref<6x128x128xf32, #tpu.memory_space<vmem>> -> memref<1x128x128xf32, #tpu.memory_space<vmem>>
      %dma_start3A_650 = tpu.memref_squeeze %dma_start3A_649 : memref<1x128x128xf32, #tpu.memory_space<vmem>> -> memref<128x128xf32, #tpu.memory_space<vmem>>
      tpu.enqueue_dma source(%dma_start3A_650 : memref<128x128xf32, #tpu.memory_space<vmem>>) target(%dma_start3A_646 : memref<128x128xf32, #tpu.memory_space<hbm>>) target_semaphore(%dma_start3A_644 : memref<!tpu.dma_semaphore, #tpu.memory_space<semaphore_mem>>)
      %sub3A_651 = arith.constant 6 : i32
      %sub3A_652 = arith.subi %add3A_613, %sub3A_651 : i32
      %mul3A_653 = arith.constant 128 : i32
      %mul3A_654 = arith.muli %sub3A_652, %mul3A_653 : i32
      %add3A_655 = arith.addi %mul3A_2, %mul3A_654 : i32
      %dma_wait3A_656 = arith.constant 1 : i32
      %dma_wait3A_657 = arith.constant 1 : i32
      %dma_wait3A_658 = arith.constant 0 : i32
      %dma_wait3A_659 = arith.constant 0 : i32
      %dma_wait3A_660 = tpu.memref_slice %arg6[%dma_wait3A_656, %dma_wait3A_658, %dma_wait3A_659] : memref<6x128x128xf32, #tpu.memory_space<vmem>> -> memref<1x128x128xf32, #tpu.memory_space<vmem>>
      %dma_wait3A_661 = tpu.memref_squeeze %dma_wait3A_660 : memref<1x128x128xf32, #tpu.memory_space<vmem>> -> memref<128x128xf32, #tpu.memory_space<vmem>>
      %dma_wait3A_662 = arith.constant 0 : i32
      %dma_wait3A_663 = tpu.memref_slice %arg4[%add3A_655, %dma_wait3A_662] : memref<819200x128xf32, #tpu.memory_space<hbm>> -> memref<128x128xf32, #tpu.memory_space<hbm>>
      %dma_wait3A_664 = tpu.memref_slice %arg8[%dma_wait3A_657] : memref<6x!tpu.dma_semaphore, #tpu.memory_space<semaphore_mem>> -> memref<1x!tpu.dma_semaphore, #tpu.memory_space<semaphore_mem>>
      %dma_wait3A_665 = tpu.memref_squeeze %dma_wait3A_664 : memref<1x!tpu.dma_semaphore, #tpu.memory_space<semaphore_mem>> -> memref<!tpu.dma_semaphore, #tpu.memory_space<semaphore_mem>>
      %dma_wait3A_666 = arith.constant 0 : i32
      %dma_wait3A_667 = tpu.memref_slice %arg4[%add3A_655, %dma_wait3A_666] : memref<819200x128xf32, #tpu.memory_space<hbm>> -> memref<128x128xf32, #tpu.memory_space<hbm>>
      %dma_wait3A_668 = arith.constant 0 : i32
      %dma_wait3A_669 = arith.constant 0 : i32
      %dma_wait3A_670 = tpu.memref_slice %arg6[%dma_wait3A_656, %dma_wait3A_668, %dma_wait3A_669] : memref<6x128x128xf32, #tpu.memory_space<vmem>> -> memref<1x128x128xf32, #tpu.memory_space<vmem>>
      %dma_wait3A_671 = tpu.memref_squeeze %dma_wait3A_670 : memref<1x128x128xf32, #tpu.memory_space<vmem>> -> memref<128x128xf32, #tpu.memory_space<vmem>>
      tpu.wait_dma2 semaphore(%dma_wait3A_665 : memref<!tpu.dma_semaphore, #tpu.memory_space<semaphore_mem>>) src(%dma_wait3A_671 : memref<128x128xf32, #tpu.memory_space<vmem>>) dst(%dma_wait3A_667 : memref<128x128xf32, #tpu.memory_space<hbm>>)
      %dma_start3A_672 = arith.constant 1 : i32
      %dma_start3A_673 = arith.constant 1 : i32
      %dma_start3A_674 = arith.constant 0 : i32
      %dma_start3A_675 = arith.constant 0 : i32
      %dma_start3A_676 = tpu.memref_slice %arg6[%dma_start3A_672, %dma_start3A_674, %dma_start3A_675] : memref<6x128x128xf32, #tpu.memory_space<vmem>> -> memref<1x128x128xf32, #tpu.memory_space<vmem>>
      %dma_start3A_677 = tpu.memref_squeeze %dma_start3A_676 : memref<1x128x128xf32, #tpu.memory_space<vmem>> -> memref<128x128xf32, #tpu.memory_space<vmem>>
      %dma_start3A_678 = arith.constant 0 : i32
      %dma_start3A_679 = tpu.memref_slice %arg5[%add3A_613, %dma_start3A_678] : memref<200x128xi32, #tpu.memory_space<vmem>> -> memref<1x128xi32, #tpu.memory_space<vmem>>
      %dma_start3A_680 = tpu.memref_squeeze %dma_start3A_679 : memref<1x128xi32, #tpu.memory_space<vmem>> -> memref<128xi32, #tpu.memory_space<vmem>>
      %dma_start3A_681 = arith.constant 0 : i32
      %dma_start3A_682 = arith.constant 0 : i32
      %dma_start3A_683 = tpu.memref_slice %arg3[%dma_start3A_681, %dma_start3A_682] : memref<100000x128xf32, #tpu.memory_space<hbm>> -> memref<100000x128xf32, #tpu.memory_space<hbm>>
      %dma_start3A_684 = tpu.memref_slice %arg7[%dma_start3A_673] : memref<6x!tpu.dma_semaphore, #tpu.memory_space<semaphore_mem>> -> memref<1x!tpu.dma_semaphore, #tpu.memory_space<semaphore_mem>>
      %dma_start3A_685 = tpu.memref_squeeze %dma_start3A_684 : memref<1x!tpu.dma_semaphore, #tpu.memory_space<semaphore_mem>> -> memref<!tpu.dma_semaphore, #tpu.memory_space<semaphore_mem>>
      tpu.enqueue_indirect_dma source(%dma_start3A_683 : memref<100000x128xf32, #tpu.memory_space<hbm>>) target(%dma_start3A_677 : memref<128x128xf32, #tpu.memory_space<vmem>>) offsets(%dma_start3A_680 : memref<128xi32, #tpu.memory_space<vmem>>) semaphore(%dma_start3A_685 : memref<!tpu.dma_semaphore, #tpu.memory_space<semaphore_mem>>)
      %add3A_686 = arith.constant 2 : i32
      %add3A_687 = arith.addi %add3A_538, %add3A_686 : i32
      %sub3A_688 = arith.constant 3 : i32
      %sub3A_689 = arith.subi %add3A_687, %sub3A_688 : i32
      %dma_wait3A_690 = arith.constant 5 : i32
      %dma_wait3A_691 = arith.constant 5 : i32
      %dma_wait3A_692 = arith.constant 0 : i32
      %dma_wait3A_693 = arith.constant 0 : i32
      %dma_wait3A_694 = tpu.memref_slice %arg6[%dma_wait3A_690, %dma_wait3A_692, %dma_wait3A_693] : memref<6x128x128xf32, #tpu.memory_space<vmem>> -> memref<1x128x128xf32, #tpu.memory_space<vmem>>
      %dma_wait3A_695 = tpu.memref_squeeze %dma_wait3A_694 : memref<1x128x128xf32, #tpu.memory_space<vmem>> -> memref<128x128xf32, #tpu.memory_space<vmem>>
      %dma_wait3A_696 = arith.constant 0 : i32
      %dma_wait3A_697 = tpu.memref_slice %arg5[%sub3A_689, %dma_wait3A_696] : memref<200x128xi32, #tpu.memory_space<vmem>> -> memref<1x128xi32, #tpu.memory_space<vmem>>
      %dma_wait3A_698 = tpu.memref_squeeze %dma_wait3A_697 : memref<1x128xi32, #tpu.memory_space<vmem>> -> memref<128xi32, #tpu.memory_space<vmem>>
      %dma_wait3A_699 = arith.constant 0 : i32
      %dma_wait3A_700 = arith.constant 0 : i32
      %dma_wait3A_701 = tpu.memref_slice %arg3[%dma_wait3A_699, %dma_wait3A_700] : memref<100000x128xf32, #tpu.memory_space<hbm>> -> memref<100000x128xf32, #tpu.memory_space<hbm>>
      %dma_wait3A_702 = tpu.memref_slice %arg7[%dma_wait3A_691] : memref<6x!tpu.dma_semaphore, #tpu.memory_space<semaphore_mem>> -> memref<1x!tpu.dma_semaphore, #tpu.memory_space<semaphore_mem>>
      %dma_wait3A_703 = tpu.memref_squeeze %dma_wait3A_702 : memref<1x!tpu.dma_semaphore, #tpu.memory_space<semaphore_mem>> -> memref<!tpu.dma_semaphore, #tpu.memory_space<semaphore_mem>>
      tpu.wait_indirect_dma semaphore(%dma_wait3A_703 : memref<!tpu.dma_semaphore, #tpu.memory_space<semaphore_mem>>) src(%dma_wait3A_701 : memref<100000x128xf32, #tpu.memory_space<hbm>>) dst(%dma_wait3A_695 : memref<128x128xf32, #tpu.memory_space<vmem>>)
      %sub3A_704 = arith.constant 3 : i32
      %sub3A_705 = arith.subi %add3A_687, %sub3A_704 : i32
      %mul3A_706 = arith.constant 128 : i32
      %mul3A_707 = arith.muli %sub3A_705, %mul3A_706 : i32
      %add3A_708 = arith.addi %mul3A_2, %mul3A_707 : i32
      %dma_start3A_709 = arith.constant 5 : i32
      %dma_start3A_710 = arith.constant 5 : i32
      %dma_start3A_711 = arith.constant 0 : i32
      %dma_start3A_712 = arith.constant 0 : i32
      %dma_start3A_713 = tpu.memref_slice %arg6[%dma_start3A_709, %dma_start3A_711, %dma_start3A_712] : memref<6x128x128xf32, #tpu.memory_space<vmem>> -> memref<1x128x128xf32, #tpu.memory_space<vmem>>
      %dma_start3A_714 = tpu.memref_squeeze %dma_start3A_713 : memref<1x128x128xf32, #tpu.memory_space<vmem>> -> memref<128x128xf32, #tpu.memory_space<vmem>>
      %dma_start3A_715 = arith.constant 0 : i32
      %dma_start3A_716 = tpu.memref_slice %arg4[%add3A_708, %dma_start3A_715] : memref<819200x128xf32, #tpu.memory_space<hbm>> -> memref<128x128xf32, #tpu.memory_space<hbm>>
      %dma_start3A_717 = tpu.memref_slice %arg8[%dma_start3A_710] : memref<6x!tpu.dma_semaphore, #tpu.memory_space<semaphore_mem>> -> memref<1x!tpu.dma_semaphore, #tpu.memory_space<semaphore_mem>>
      %dma_start3A_718 = tpu.memref_squeeze %dma_start3A_717 : memref<1x!tpu.dma_semaphore, #tpu.memory_space<semaphore_mem>> -> memref<!tpu.dma_semaphore, #tpu.memory_space<semaphore_mem>>
      %dma_start3A_719 = arith.constant 0 : i32
      %dma_start3A_720 = tpu.memref_slice %arg4[%add3A_708, %dma_start3A_719] : memref<819200x128xf32, #tpu.memory_space<hbm>> -> memref<128x128xf32, #tpu.memory_space<hbm>>
      %dma_start3A_721 = arith.constant 0 : i32
      %dma_start3A_722 = arith.constant 0 : i32
      %dma_start3A_723 = tpu.memref_slice %arg6[%dma_start3A_709, %dma_start3A_721, %dma_start3A_722] : memref<6x128x128xf32, #tpu.memory_space<vmem>> -> memref<1x128x128xf32, #tpu.memory_space<vmem>>
      %dma_start3A_724 = tpu.memref_squeeze %dma_start3A_723 : memref<1x128x128xf32, #tpu.memory_space<vmem>> -> memref<128x128xf32, #tpu.memory_space<vmem>>
      tpu.enqueue_dma source(%dma_start3A_724 : memref<128x128xf32, #tpu.memory_space<vmem>>) target(%dma_start3A_720 : memref<128x128xf32, #tpu.memory_space<hbm>>) target_semaphore(%dma_start3A_718 : memref<!tpu.dma_semaphore, #tpu.memory_space<semaphore_mem>>)
      %sub3A_725 = arith.constant 6 : i32
      %sub3A_726 = arith.subi %add3A_687, %sub3A_725 : i32
      %mul3A_727 = arith.constant 128 : i32
      %mul3A_728 = arith.muli %sub3A_726, %mul3A_727 : i32
      %add3A_729 = arith.addi %mul3A_2, %mul3A_728 : i32
      %dma_wait3A_730 = arith.constant 2 : i32
      %dma_wait3A_731 = arith.constant 2 : i32
      %dma_wait3A_732 = arith.constant 0 : i32
      %dma_wait3A_733 = arith.constant 0 : i32
      %dma_wait3A_734 = tpu.memref_slice %arg6[%dma_wait3A_730, %dma_wait3A_732, %dma_wait3A_733] : memref<6x128x128xf32, #tpu.memory_space<vmem>> -> memref<1x128x128xf32, #tpu.memory_space<vmem>>
      %dma_wait3A_735 = tpu.memref_squeeze %dma_wait3A_734 : memref<1x128x128xf32, #tpu.memory_space<vmem>> -> memref<128x128xf32, #tpu.memory_space<vmem>>
      %dma_wait3A_736 = arith.constant 0 : i32
      %dma_wait3A_737 = tpu.memref_slice %arg4[%add3A_729, %dma_wait3A_736] : memref<819200x128xf32, #tpu.memory_space<hbm>> -> memref<128x128xf32, #tpu.memory_space<hbm>>
      %dma_wait3A_738 = tpu.memref_slice %arg8[%dma_wait3A_731] : memref<6x!tpu.dma_semaphore, #tpu.memory_space<semaphore_mem>> -> memref<1x!tpu.dma_semaphore, #tpu.memory_space<semaphore_mem>>
      %dma_wait3A_739 = tpu.memref_squeeze %dma_wait3A_738 : memref<1x!tpu.dma_semaphore, #tpu.memory_space<semaphore_mem>> -> memref<!tpu.dma_semaphore, #tpu.memory_space<semaphore_mem>>
      %dma_wait3A_740 = arith.constant 0 : i32
      %dma_wait3A_741 = tpu.memref_slice %arg4[%add3A_729, %dma_wait3A_740] : memref<819200x128xf32, #tpu.memory_space<hbm>> -> memref<128x128xf32, #tpu.memory_space<hbm>>
      %dma_wait3A_742 = arith.constant 0 : i32
      %dma_wait3A_743 = arith.constant 0 : i32
      %dma_wait3A_744 = tpu.memref_slice %arg6[%dma_wait3A_730, %dma_wait3A_742, %dma_wait3A_743] : memref<6x128x128xf32, #tpu.memory_space<vmem>> -> memref<1x128x128xf32, #tpu.memory_space<vmem>>
      %dma_wait3A_745 = tpu.memref_squeeze %dma_wait3A_744 : memref<1x128x128xf32, #tpu.memory_space<vmem>> -> memref<128x128xf32, #tpu.memory_space<vmem>>
      tpu.wait_dma2 semaphore(%dma_wait3A_739 : memref<!tpu.dma_semaphore, #tpu.memory_space<semaphore_mem>>) src(%dma_wait3A_745 : memref<128x128xf32, #tpu.memory_space<vmem>>) dst(%dma_wait3A_741 : memref<128x128xf32, #tpu.memory_space<hbm>>)
      %dma_start3A_746 = arith.constant 2 : i32
      %dma_start3A_747 = arith.constant 2 : i32
      %dma_start3A_748 = arith.constant 0 : i32
      %dma_start3A_749 = arith.constant 0 : i32
      %dma_start3A_750 = tpu.memref_slice %arg6[%dma_start3A_746, %dma_start3A_748, %dma_start3A_749] : memref<6x128x128xf32, #tpu.memory_space<vmem>> -> memref<1x128x128xf32, #tpu.memory_space<vmem>>
      %dma_start3A_751 = tpu.memref_squeeze %dma_start3A_750 : memref<1x128x128xf32, #tpu.memory_space<vmem>> -> memref<128x128xf32, #tpu.memory_space<vmem>>
      %dma_start3A_752 = arith.constant 0 : i32
      %dma_start3A_753 = tpu.memref_slice %arg5[%add3A_687, %dma_start3A_752] : memref<200x128xi32, #tpu.memory_space<vmem>> -> memref<1x128xi32, #tpu.memory_space<vmem>>
      %dma_start3A_754 = tpu.memref_squeeze %dma_start3A_753 : memref<1x128xi32, #tpu.memory_space<vmem>> -> memref<128xi32, #tpu.memory_space<vmem>>
      %dma_start3A_755 = arith.constant 0 : i32
      %dma_start3A_756 = arith.constant 0 : i32
      %dma_start3A_757 = tpu.memref_slice %arg3[%dma_start3A_755, %dma_start3A_756] : memref<100000x128xf32, #tpu.memory_space<hbm>> -> memref<100000x128xf32, #tpu.memory_space<hbm>>
      %dma_start3A_758 = tpu.memref_slice %arg7[%dma_start3A_747] : memref<6x!tpu.dma_semaphore, #tpu.memory_space<semaphore_mem>> -> memref<1x!tpu.dma_semaphore, #tpu.memory_space<semaphore_mem>>
      %dma_start3A_759 = tpu.memref_squeeze %dma_start3A_758 : memref<1x!tpu.dma_semaphore, #tpu.memory_space<semaphore_mem>> -> memref<!tpu.dma_semaphore, #tpu.memory_space<semaphore_mem>>
      tpu.enqueue_indirect_dma source(%dma_start3A_757 : memref<100000x128xf32, #tpu.memory_space<hbm>>) target(%dma_start3A_751 : memref<128x128xf32, #tpu.memory_space<vmem>>) offsets(%dma_start3A_754 : memref<128xi32, #tpu.memory_space<vmem>>) semaphore(%dma_start3A_759 : memref<!tpu.dma_semaphore, #tpu.memory_space<semaphore_mem>>)
      %add3A_760 = arith.constant 3 : i32
      %add3A_761 = arith.addi %add3A_538, %add3A_760 : i32
      %sub3A_762 = arith.constant 3 : i32
      %sub3A_763 = arith.subi %add3A_761, %sub3A_762 : i32
      %dma_wait3A_764 = arith.constant 0 : i32
      %dma_wait3A_765 = arith.constant 0 : i32
      %dma_wait3A_766 = arith.constant 0 : i32
      %dma_wait3A_767 = arith.constant 0 : i32
      %dma_wait3A_768 = tpu.memref_slice %arg6[%dma_wait3A_764, %dma_wait3A_766, %dma_wait3A_767] : memref<6x128x128xf32, #tpu.memory_space<vmem>> -> memref<1x128x128xf32, #tpu.memory_space<vmem>>
      %dma_wait3A_769 = tpu.memref_squeeze %dma_wait3A_768 : memref<1x128x128xf32, #tpu.memory_space<vmem>> -> memref<128x128xf32, #tpu.memory_space<vmem>>
      %dma_wait3A_770 = arith.constant 0 : i32
      %dma_wait3A_771 = tpu.memref_slice %arg5[%sub3A_763, %dma_wait3A_770] : memref<200x128xi32, #tpu.memory_space<vmem>> -> memref<1x128xi32, #tpu.memory_space<vmem>>
      %dma_wait3A_772 = tpu.memref_squeeze %dma_wait3A_771 : memref<1x128xi32, #tpu.memory_space<vmem>> -> memref<128xi32, #tpu.memory_space<vmem>>
      %dma_wait3A_773 = arith.constant 0 : i32
      %dma_wait3A_774 = arith.constant 0 : i32
      %dma_wait3A_775 = tpu.memref_slice %arg3[%dma_wait3A_773, %dma_wait3A_774] : memref<100000x128xf32, #tpu.memory_space<hbm>> -> memref<100000x128xf32, #tpu.memory_space<hbm>>
      %dma_wait3A_776 = tpu.memref_slice %arg7[%dma_wait3A_765] : memref<6x!tpu.dma_semaphore, #tpu.memory_space<semaphore_mem>> -> memref<1x!tpu.dma_semaphore, #tpu.memory_space<semaphore_mem>>
      %dma_wait3A_777 = tpu.memref_squeeze %dma_wait3A_776 : memref<1x!tpu.dma_semaphore, #tpu.memory_space<semaphore_mem>> -> memref<!tpu.dma_semaphore, #tpu.memory_space<semaphore_mem>>
      tpu.wait_indirect_dma semaphore(%dma_wait3A_777 : memref<!tpu.dma_semaphore, #tpu.memory_space<semaphore_mem>>) src(%dma_wait3A_775 : memref<100000x128xf32, #tpu.memory_space<hbm>>) dst(%dma_wait3A_769 : memref<128x128xf32, #tpu.memory_space<vmem>>)
      %sub3A_778 = arith.constant 3 : i32
      %sub3A_779 = arith.subi %add3A_761, %sub3A_778 : i32
      %mul3A_780 = arith.constant 128 : i32
      %mul3A_781 = arith.muli %sub3A_779, %mul3A_780 : i32
      %add3A_782 = arith.addi %mul3A_2, %mul3A_781 : i32
      %dma_start3A_783 = arith.constant 0 : i32
      %dma_start3A_784 = arith.constant 0 : i32
      %dma_start3A_785 = arith.constant 0 : i32
      %dma_start3A_786 = arith.constant 0 : i32
      %dma_start3A_787 = tpu.memref_slice %arg6[%dma_start3A_783, %dma_start3A_785, %dma_start3A_786] : memref<6x128x128xf32, #tpu.memory_space<vmem>> -> memref<1x128x128xf32, #tpu.memory_space<vmem>>
      %dma_start3A_788 = tpu.memref_squeeze %dma_start3A_787 : memref<1x128x128xf32, #tpu.memory_space<vmem>> -> memref<128x128xf32, #tpu.memory_space<vmem>>
      %dma_start3A_789 = arith.constant 0 : i32
      %dma_start3A_790 = tpu.memref_slice %arg4[%add3A_782, %dma_start3A_789] : memref<819200x128xf32, #tpu.memory_space<hbm>> -> memref<128x128xf32, #tpu.memory_space<hbm>>
      %dma_start3A_791 = tpu.memref_slice %arg8[%dma_start3A_784] : memref<6x!tpu.dma_semaphore, #tpu.memory_space<semaphore_mem>> -> memref<1x!tpu.dma_semaphore, #tpu.memory_space<semaphore_mem>>
      %dma_start3A_792 = tpu.memref_squeeze %dma_start3A_791 : memref<1x!tpu.dma_semaphore, #tpu.memory_space<semaphore_mem>> -> memref<!tpu.dma_semaphore, #tpu.memory_space<semaphore_mem>>
      %dma_start3A_793 = arith.constant 0 : i32
      %dma_start3A_794 = tpu.memref_slice %arg4[%add3A_782, %dma_start3A_793] : memref<819200x128xf32, #tpu.memory_space<hbm>> -> memref<128x128xf32, #tpu.memory_space<hbm>>
      %dma_start3A_795 = arith.constant 0 : i32
      %dma_start3A_796 = arith.constant 0 : i32
      %dma_start3A_797 = tpu.memref_slice %arg6[%dma_start3A_783, %dma_start3A_795, %dma_start3A_796] : memref<6x128x128xf32, #tpu.memory_space<vmem>> -> memref<1x128x128xf32, #tpu.memory_space<vmem>>
      %dma_start3A_798 = tpu.memref_squeeze %dma_start3A_797 : memref<1x128x128xf32, #tpu.memory_space<vmem>> -> memref<128x128xf32, #tpu.memory_space<vmem>>
      tpu.enqueue_dma source(%dma_start3A_798 : memref<128x128xf32, #tpu.memory_space<vmem>>) target(%dma_start3A_794 : memref<128x128xf32, #tpu.memory_space<hbm>>) target_semaphore(%dma_start3A_792 : memref<!tpu.dma_semaphore, #tpu.memory_space<semaphore_mem>>)
      %sub3A_799 = arith.constant 6 : i32
      %sub3A_800 = arith.subi %add3A_761, %sub3A_799 : i32
      %mul3A_801 = arith.constant 128 : i32
      %mul3A_802 = arith.muli %sub3A_800, %mul3A_801 : i32
      %add3A_803 = arith.addi %mul3A_2, %mul3A_802 : i32
      %dma_wait3A_804 = arith.constant 3 : i32
      %dma_wait3A_805 = arith.constant 3 : i32
      %dma_wait3A_806 = arith.constant 0 : i32
      %dma_wait3A_807 = arith.constant 0 : i32
      %dma_wait3A_808 = tpu.memref_slice %arg6[%dma_wait3A_804, %dma_wait3A_806, %dma_wait3A_807] : memref<6x128x128xf32, #tpu.memory_space<vmem>> -> memref<1x128x128xf32, #tpu.memory_space<vmem>>
      %dma_wait3A_809 = tpu.memref_squeeze %dma_wait3A_808 : memref<1x128x128xf32, #tpu.memory_space<vmem>> -> memref<128x128xf32, #tpu.memory_space<vmem>>
      %dma_wait3A_810 = arith.constant 0 : i32
      %dma_wait3A_811 = tpu.memref_slice %arg4[%add3A_803, %dma_wait3A_810] : memref<819200x128xf32, #tpu.memory_space<hbm>> -> memref<128x128xf32, #tpu.memory_space<hbm>>
      %dma_wait3A_812 = tpu.memref_slice %arg8[%dma_wait3A_805] : memref<6x!tpu.dma_semaphore, #tpu.memory_space<semaphore_mem>> -> memref<1x!tpu.dma_semaphore, #tpu.memory_space<semaphore_mem>>
      %dma_wait3A_813 = tpu.memref_squeeze %dma_wait3A_812 : memref<1x!tpu.dma_semaphore, #tpu.memory_space<semaphore_mem>> -> memref<!tpu.dma_semaphore, #tpu.memory_space<semaphore_mem>>
      %dma_wait3A_814 = arith.constant 0 : i32
      %dma_wait3A_815 = tpu.memref_slice %arg4[%add3A_803, %dma_wait3A_814] : memref<819200x128xf32, #tpu.memory_space<hbm>> -> memref<128x128xf32, #tpu.memory_space<hbm>>
      %dma_wait3A_816 = arith.constant 0 : i32
      %dma_wait3A_817 = arith.constant 0 : i32
      %dma_wait3A_818 = tpu.memref_slice %arg6[%dma_wait3A_804, %dma_wait3A_816, %dma_wait3A_817] : memref<6x128x128xf32, #tpu.memory_space<vmem>> -> memref<1x128x128xf32, #tpu.memory_space<vmem>>
      %dma_wait3A_819 = tpu.memref_squeeze %dma_wait3A_818 : memref<1x128x128xf32, #tpu.memory_space<vmem>> -> memref<128x128xf32, #tpu.memory_space<vmem>>
      tpu.wait_dma2 semaphore(%dma_wait3A_813 : memref<!tpu.dma_semaphore, #tpu.memory_space<semaphore_mem>>) src(%dma_wait3A_819 : memref<128x128xf32, #tpu.memory_space<vmem>>) dst(%dma_wait3A_815 : memref<128x128xf32, #tpu.memory_space<hbm>>)
      %dma_start3A_820 = arith.constant 3 : i32
      %dma_start3A_821 = arith.constant 3 : i32
      %dma_start3A_822 = arith.constant 0 : i32
      %dma_start3A_823 = arith.constant 0 : i32
      %dma_start3A_824 = tpu.memref_slice %arg6[%dma_start3A_820, %dma_start3A_822, %dma_start3A_823] : memref<6x128x128xf32, #tpu.memory_space<vmem>> -> memref<1x128x128xf32, #tpu.memory_space<vmem>>
      %dma_start3A_825 = tpu.memref_squeeze %dma_start3A_824 : memref<1x128x128xf32, #tpu.memory_space<vmem>> -> memref<128x128xf32, #tpu.memory_space<vmem>>
      %dma_start3A_826 = arith.constant 0 : i32
      %dma_start3A_827 = tpu.memref_slice %arg5[%add3A_761, %dma_start3A_826] : memref<200x128xi32, #tpu.memory_space<vmem>> -> memref<1x128xi32, #tpu.memory_space<vmem>>
      %dma_start3A_828 = tpu.memref_squeeze %dma_start3A_827 : memref<1x128xi32, #tpu.memory_space<vmem>> -> memref<128xi32, #tpu.memory_space<vmem>>
      %dma_start3A_829 = arith.constant 0 : i32
      %dma_start3A_830 = arith.constant 0 : i32
      %dma_start3A_831 = tpu.memref_slice %arg3[%dma_start3A_829, %dma_start3A_830] : memref<100000x128xf32, #tpu.memory_space<hbm>> -> memref<100000x128xf32, #tpu.memory_space<hbm>>
      %dma_start3A_832 = tpu.memref_slice %arg7[%dma_start3A_821] : memref<6x!tpu.dma_semaphore, #tpu.memory_space<semaphore_mem>> -> memref<1x!tpu.dma_semaphore, #tpu.memory_space<semaphore_mem>>
      %dma_start3A_833 = tpu.memref_squeeze %dma_start3A_832 : memref<1x!tpu.dma_semaphore, #tpu.memory_space<semaphore_mem>> -> memref<!tpu.dma_semaphore, #tpu.memory_space<semaphore_mem>>
      tpu.enqueue_indirect_dma source(%dma_start3A_831 : memref<100000x128xf32, #tpu.memory_space<hbm>>) target(%dma_start3A_825 : memref<128x128xf32, #tpu.memory_space<vmem>>) offsets(%dma_start3A_828 : memref<128xi32, #tpu.memory_space<vmem>>) semaphore(%dma_start3A_833 : memref<!tpu.dma_semaphore, #tpu.memory_space<semaphore_mem>>)
      %add3A_834 = arith.constant 4 : i32
      %add3A_835 = arith.addi %add3A_538, %add3A_834 : i32
      %sub3A_836 = arith.constant 3 : i32
      %sub3A_837 = arith.subi %add3A_835, %sub3A_836 : i32
      %dma_wait3A_838 = arith.constant 1 : i32
      %dma_wait3A_839 = arith.constant 1 : i32
      %dma_wait3A_840 = arith.constant 0 : i32
      %dma_wait3A_841 = arith.constant 0 : i32
      %dma_wait3A_842 = tpu.memref_slice %arg6[%dma_wait3A_838, %dma_wait3A_840, %dma_wait3A_841] : memref<6x128x128xf32, #tpu.memory_space<vmem>> -> memref<1x128x128xf32, #tpu.memory_space<vmem>>
      %dma_wait3A_843 = tpu.memref_squeeze %dma_wait3A_842 : memref<1x128x128xf32, #tpu.memory_space<vmem>> -> memref<128x128xf32, #tpu.memory_space<vmem>>
      %dma_wait3A_844 = arith.constant 0 : i32
      %dma_wait3A_845 = tpu.memref_slice %arg5[%sub3A_837, %dma_wait3A_844] : memref<200x128xi32, #tpu.memory_space<vmem>> -> memref<1x128xi32, #tpu.memory_space<vmem>>
      %dma_wait3A_846 = tpu.memref_squeeze %dma_wait3A_845 : memref<1x128xi32, #tpu.memory_space<vmem>> -> memref<128xi32, #tpu.memory_space<vmem>>
      %dma_wait3A_847 = arith.constant 0 : i32
      %dma_wait3A_848 = arith.constant 0 : i32
      %dma_wait3A_849 = tpu.memref_slice %arg3[%dma_wait3A_847, %dma_wait3A_848] : memref<100000x128xf32, #tpu.memory_space<hbm>> -> memref<100000x128xf32, #tpu.memory_space<hbm>>
      %dma_wait3A_850 = tpu.memref_slice %arg7[%dma_wait3A_839] : memref<6x!tpu.dma_semaphore, #tpu.memory_space<semaphore_mem>> -> memref<1x!tpu.dma_semaphore, #tpu.memory_space<semaphore_mem>>
      %dma_wait3A_851 = tpu.memref_squeeze %dma_wait3A_850 : memref<1x!tpu.dma_semaphore, #tpu.memory_space<semaphore_mem>> -> memref<!tpu.dma_semaphore, #tpu.memory_space<semaphore_mem>>
      tpu.wait_indirect_dma semaphore(%dma_wait3A_851 : memref<!tpu.dma_semaphore, #tpu.memory_space<semaphore_mem>>) src(%dma_wait3A_849 : memref<100000x128xf32, #tpu.memory_space<hbm>>) dst(%dma_wait3A_843 : memref<128x128xf32, #tpu.memory_space<vmem>>)
      %sub3A_852 = arith.constant 3 : i32
      %sub3A_853 = arith.subi %add3A_835, %sub3A_852 : i32
      %mul3A_854 = arith.constant 128 : i32
      %mul3A_855 = arith.muli %sub3A_853, %mul3A_854 : i32
      %add3A_856 = arith.addi %mul3A_2, %mul3A_855 : i32
      %dma_start3A_857 = arith.constant 1 : i32
      %dma_start3A_858 = arith.constant 1 : i32
      %dma_start3A_859 = arith.constant 0 : i32
      %dma_start3A_860 = arith.constant 0 : i32
      %dma_start3A_861 = tpu.memref_slice %arg6[%dma_start3A_857, %dma_start3A_859, %dma_start3A_860] : memref<6x128x128xf32, #tpu.memory_space<vmem>> -> memref<1x128x128xf32, #tpu.memory_space<vmem>>
      %dma_start3A_862 = tpu.memref_squeeze %dma_start3A_861 : memref<1x128x128xf32, #tpu.memory_space<vmem>> -> memref<128x128xf32, #tpu.memory_space<vmem>>
      %dma_start3A_863 = arith.constant 0 : i32
      %dma_start3A_864 = tpu.memref_slice %arg4[%add3A_856, %dma_start3A_863] : memref<819200x128xf32, #tpu.memory_space<hbm>> -> memref<128x128xf32, #tpu.memory_space<hbm>>
      %dma_start3A_865 = tpu.memref_slice %arg8[%dma_start3A_858] : memref<6x!tpu.dma_semaphore, #tpu.memory_space<semaphore_mem>> -> memref<1x!tpu.dma_semaphore, #tpu.memory_space<semaphore_mem>>
      %dma_start3A_866 = tpu.memref_squeeze %dma_start3A_865 : memref<1x!tpu.dma_semaphore, #tpu.memory_space<semaphore_mem>> -> memref<!tpu.dma_semaphore, #tpu.memory_space<semaphore_mem>>
      %dma_start3A_867 = arith.constant 0 : i32
      %dma_start3A_868 = tpu.memref_slice %arg4[%add3A_856, %dma_start3A_867] : memref<819200x128xf32, #tpu.memory_space<hbm>> -> memref<128x128xf32, #tpu.memory_space<hbm>>
      %dma_start3A_869 = arith.constant 0 : i32
      %dma_start3A_870 = arith.constant 0 : i32
      %dma_start3A_871 = tpu.memref_slice %arg6[%dma_start3A_857, %dma_start3A_869, %dma_start3A_870] : memref<6x128x128xf32, #tpu.memory_space<vmem>> -> memref<1x128x128xf32, #tpu.memory_space<vmem>>
      %dma_start3A_872 = tpu.memref_squeeze %dma_start3A_871 : memref<1x128x128xf32, #tpu.memory_space<vmem>> -> memref<128x128xf32, #tpu.memory_space<vmem>>
      tpu.enqueue_dma source(%dma_start3A_872 : memref<128x128xf32, #tpu.memory_space<vmem>>) target(%dma_start3A_868 : memref<128x128xf32, #tpu.memory_space<hbm>>) target_semaphore(%dma_start3A_866 : memref<!tpu.dma_semaphore, #tpu.memory_space<semaphore_mem>>)
      %sub3A_873 = arith.constant 6 : i32
      %sub3A_874 = arith.subi %add3A_835, %sub3A_873 : i32
      %mul3A_875 = arith.constant 128 : i32
      %mul3A_876 = arith.muli %sub3A_874, %mul3A_875 : i32
      %add3A_877 = arith.addi %mul3A_2, %mul3A_876 : i32
      %dma_wait3A_878 = arith.constant 4 : i32
      %dma_wait3A_879 = arith.constant 4 : i32
      %dma_wait3A_880 = arith.constant 0 : i32
      %dma_wait3A_881 = arith.constant 0 : i32
      %dma_wait3A_882 = tpu.memref_slice %arg6[%dma_wait3A_878, %dma_wait3A_880, %dma_wait3A_881] : memref<6x128x128xf32, #tpu.memory_space<vmem>> -> memref<1x128x128xf32, #tpu.memory_space<vmem>>
      %dma_wait3A_883 = tpu.memref_squeeze %dma_wait3A_882 : memref<1x128x128xf32, #tpu.memory_space<vmem>> -> memref<128x128xf32, #tpu.memory_space<vmem>>
      %dma_wait3A_884 = arith.constant 0 : i32
      %dma_wait3A_885 = tpu.memref_slice %arg4[%add3A_877, %dma_wait3A_884] : memref<819200x128xf32, #tpu.memory_space<hbm>> -> memref<128x128xf32, #tpu.memory_space<hbm>>
      %dma_wait3A_886 = tpu.memref_slice %arg8[%dma_wait3A_879] : memref<6x!tpu.dma_semaphore, #tpu.memory_space<semaphore_mem>> -> memref<1x!tpu.dma_semaphore, #tpu.memory_space<semaphore_mem>>
      %dma_wait3A_887 = tpu.memref_squeeze %dma_wait3A_886 : memref<1x!tpu.dma_semaphore, #tpu.memory_space<semaphore_mem>> -> memref<!tpu.dma_semaphore, #tpu.memory_space<semaphore_mem>>
      %dma_wait3A_888 = arith.constant 0 : i32
      %dma_wait3A_889 = tpu.memref_slice %arg4[%add3A_877, %dma_wait3A_888] : memref<819200x128xf32, #tpu.memory_space<hbm>> -> memref<128x128xf32, #tpu.memory_space<hbm>>
      %dma_wait3A_890 = arith.constant 0 : i32
      %dma_wait3A_891 = arith.constant 0 : i32
      %dma_wait3A_892 = tpu.memref_slice %arg6[%dma_wait3A_878, %dma_wait3A_890, %dma_wait3A_891] : memref<6x128x128xf32, #tpu.memory_space<vmem>> -> memref<1x128x128xf32, #tpu.memory_space<vmem>>
      %dma_wait3A_893 = tpu.memref_squeeze %dma_wait3A_892 : memref<1x128x128xf32, #tpu.memory_space<vmem>> -> memref<128x128xf32, #tpu.memory_space<vmem>>
      tpu.wait_dma2 semaphore(%dma_wait3A_887 : memref<!tpu.dma_semaphore, #tpu.memory_space<semaphore_mem>>) src(%dma_wait3A_893 : memref<128x128xf32, #tpu.memory_space<vmem>>) dst(%dma_wait3A_889 : memref<128x128xf32, #tpu.memory_space<hbm>>)
      %dma_start3A_894 = arith.constant 4 : i32
      %dma_start3A_895 = arith.constant 4 : i32
      %dma_start3A_896 = arith.constant 0 : i32
      %dma_start3A_897 = arith.constant 0 : i32
      %dma_start3A_898 = tpu.memref_slice %arg6[%dma_start3A_894, %dma_start3A_896, %dma_start3A_897] : memref<6x128x128xf32, #tpu.memory_space<vmem>> -> memref<1x128x128xf32, #tpu.memory_space<vmem>>
      %dma_start3A_899 = tpu.memref_squeeze %dma_start3A_898 : memref<1x128x128xf32, #tpu.memory_space<vmem>> -> memref<128x128xf32, #tpu.memory_space<vmem>>
      %dma_start3A_900 = arith.constant 0 : i32
      %dma_start3A_901 = tpu.memref_slice %arg5[%add3A_835, %dma_start3A_900] : memref<200x128xi32, #tpu.memory_space<vmem>> -> memref<1x128xi32, #tpu.memory_space<vmem>>
      %dma_start3A_902 = tpu.memref_squeeze %dma_start3A_901 : memref<1x128xi32, #tpu.memory_space<vmem>> -> memref<128xi32, #tpu.memory_space<vmem>>
      %dma_start3A_903 = arith.constant 0 : i32
      %dma_start3A_904 = arith.constant 0 : i32
      %dma_start3A_905 = tpu.memref_slice %arg3[%dma_start3A_903, %dma_start3A_904] : memref<100000x128xf32, #tpu.memory_space<hbm>> -> memref<100000x128xf32, #tpu.memory_space<hbm>>
      %dma_start3A_906 = tpu.memref_slice %arg7[%dma_start3A_895] : memref<6x!tpu.dma_semaphore, #tpu.memory_space<semaphore_mem>> -> memref<1x!tpu.dma_semaphore, #tpu.memory_space<semaphore_mem>>
      %dma_start3A_907 = tpu.memref_squeeze %dma_start3A_906 : memref<1x!tpu.dma_semaphore, #tpu.memory_space<semaphore_mem>> -> memref<!tpu.dma_semaphore, #tpu.memory_space<semaphore_mem>>
      tpu.enqueue_indirect_dma source(%dma_start3A_905 : memref<100000x128xf32, #tpu.memory_space<hbm>>) target(%dma_start3A_899 : memref<128x128xf32, #tpu.memory_space<vmem>>) offsets(%dma_start3A_902 : memref<128xi32, #tpu.memory_space<vmem>>) semaphore(%dma_start3A_907 : memref<!tpu.dma_semaphore, #tpu.memory_space<semaphore_mem>>)
      %add3A_908 = arith.constant 5 : i32
      %add3A_909 = arith.addi %add3A_538, %add3A_908 : i32
      %sub3A_910 = arith.constant 3 : i32
      %sub3A_911 = arith.subi %add3A_909, %sub3A_910 : i32
      %dma_wait3A_912 = arith.constant 2 : i32
      %dma_wait3A_913 = arith.constant 2 : i32
      %dma_wait3A_914 = arith.constant 0 : i32
      %dma_wait3A_915 = arith.constant 0 : i32
      %dma_wait3A_916 = tpu.memref_slice %arg6[%dma_wait3A_912, %dma_wait3A_914, %dma_wait3A_915] : memref<6x128x128xf32, #tpu.memory_space<vmem>> -> memref<1x128x128xf32, #tpu.memory_space<vmem>>
      %dma_wait3A_917 = tpu.memref_squeeze %dma_wait3A_916 : memref<1x128x128xf32, #tpu.memory_space<vmem>> -> memref<128x128xf32, #tpu.memory_space<vmem>>
      %dma_wait3A_918 = arith.constant 0 : i32
      %dma_wait3A_919 = tpu.memref_slice %arg5[%sub3A_911, %dma_wait3A_918] : memref<200x128xi32, #tpu.memory_space<vmem>> -> memref<1x128xi32, #tpu.memory_space<vmem>>
      %dma_wait3A_920 = tpu.memref_squeeze %dma_wait3A_919 : memref<1x128xi32, #tpu.memory_space<vmem>> -> memref<128xi32, #tpu.memory_space<vmem>>
      %dma_wait3A_921 = arith.constant 0 : i32
      %dma_wait3A_922 = arith.constant 0 : i32
      %dma_wait3A_923 = tpu.memref_slice %arg3[%dma_wait3A_921, %dma_wait3A_922] : memref<100000x128xf32, #tpu.memory_space<hbm>> -> memref<100000x128xf32, #tpu.memory_space<hbm>>
      %dma_wait3A_924 = tpu.memref_slice %arg7[%dma_wait3A_913] : memref<6x!tpu.dma_semaphore, #tpu.memory_space<semaphore_mem>> -> memref<1x!tpu.dma_semaphore, #tpu.memory_space<semaphore_mem>>
      %dma_wait3A_925 = tpu.memref_squeeze %dma_wait3A_924 : memref<1x!tpu.dma_semaphore, #tpu.memory_space<semaphore_mem>> -> memref<!tpu.dma_semaphore, #tpu.memory_space<semaphore_mem>>
      tpu.wait_indirect_dma semaphore(%dma_wait3A_925 : memref<!tpu.dma_semaphore, #tpu.memory_space<semaphore_mem>>) src(%dma_wait3A_923 : memref<100000x128xf32, #tpu.memory_space<hbm>>) dst(%dma_wait3A_917 : memref<128x128xf32, #tpu.memory_space<vmem>>)
      %sub3A_926 = arith.constant 3 : i32
      %sub3A_927 = arith.subi %add3A_909, %sub3A_926 : i32
      %mul3A_928 = arith.constant 128 : i32
      %mul3A_929 = arith.muli %sub3A_927, %mul3A_928 : i32
      %add3A_930 = arith.addi %mul3A_2, %mul3A_929 : i32
      %dma_start3A_931 = arith.constant 2 : i32
      %dma_start3A_932 = arith.constant 2 : i32
      %dma_start3A_933 = arith.constant 0 : i32
      %dma_start3A_934 = arith.constant 0 : i32
      %dma_start3A_935 = tpu.memref_slice %arg6[%dma_start3A_931, %dma_start3A_933, %dma_start3A_934] : memref<6x128x128xf32, #tpu.memory_space<vmem>> -> memref<1x128x128xf32, #tpu.memory_space<vmem>>
      %dma_start3A_936 = tpu.memref_squeeze %dma_start3A_935 : memref<1x128x128xf32, #tpu.memory_space<vmem>> -> memref<128x128xf32, #tpu.memory_space<vmem>>
      %dma_start3A_937 = arith.constant 0 : i32
      %dma_start3A_938 = tpu.memref_slice %arg4[%add3A_930, %dma_start3A_937] : memref<819200x128xf32, #tpu.memory_space<hbm>> -> memref<128x128xf32, #tpu.memory_space<hbm>>
      %dma_start3A_939 = tpu.memref_slice %arg8[%dma_start3A_932] : memref<6x!tpu.dma_semaphore, #tpu.memory_space<semaphore_mem>> -> memref<1x!tpu.dma_semaphore, #tpu.memory_space<semaphore_mem>>
      %dma_start3A_940 = tpu.memref_squeeze %dma_start3A_939 : memref<1x!tpu.dma_semaphore, #tpu.memory_space<semaphore_mem>> -> memref<!tpu.dma_semaphore, #tpu.memory_space<semaphore_mem>>
      %dma_start3A_941 = arith.constant 0 : i32
      %dma_start3A_942 = tpu.memref_slice %arg4[%add3A_930, %dma_start3A_941] : memref<819200x128xf32, #tpu.memory_space<hbm>> -> memref<128x128xf32, #tpu.memory_space<hbm>>
      %dma_start3A_943 = arith.constant 0 : i32
      %dma_start3A_944 = arith.constant 0 : i32
      %dma_start3A_945 = tpu.memref_slice %arg6[%dma_start3A_931, %dma_start3A_943, %dma_start3A_944] : memref<6x128x128xf32, #tpu.memory_space<vmem>> -> memref<1x128x128xf32, #tpu.memory_space<vmem>>
      %dma_start3A_946 = tpu.memref_squeeze %dma_start3A_945 : memref<1x128x128xf32, #tpu.memory_space<vmem>> -> memref<128x128xf32, #tpu.memory_space<vmem>>
      tpu.enqueue_dma source(%dma_start3A_946 : memref<128x128xf32, #tpu.memory_space<vmem>>) target(%dma_start3A_942 : memref<128x128xf32, #tpu.memory_space<hbm>>) target_semaphore(%dma_start3A_940 : memref<!tpu.dma_semaphore, #tpu.memory_space<semaphore_mem>>)
      %sub3A_947 = arith.constant 6 : i32
      %sub3A_948 = arith.subi %add3A_909, %sub3A_947 : i32
      %mul3A_949 = arith.constant 128 : i32
      %mul3A_950 = arith.muli %sub3A_948, %mul3A_949 : i32
      %add3A_951 = arith.addi %mul3A_2, %mul3A_950 : i32
      %dma_wait3A_952 = arith.constant 5 : i32
      %dma_wait3A_953 = arith.constant 5 : i32
      %dma_wait3A_954 = arith.constant 0 : i32
      %dma_wait3A_955 = arith.constant 0 : i32
      %dma_wait3A_956 = tpu.memref_slice %arg6[%dma_wait3A_952, %dma_wait3A_954, %dma_wait3A_955] : memref<6x128x128xf32, #tpu.memory_space<vmem>> -> memref<1x128x128xf32, #tpu.memory_space<vmem>>
      %dma_wait3A_957 = tpu.memref_squeeze %dma_wait3A_956 : memref<1x128x128xf32, #tpu.memory_space<vmem>> -> memref<128x128xf32, #tpu.memory_space<vmem>>
      %dma_wait3A_958 = arith.constant 0 : i32
      %dma_wait3A_959 = tpu.memref_slice %arg4[%add3A_951, %dma_wait3A_958] : memref<819200x128xf32, #tpu.memory_space<hbm>> -> memref<128x128xf32, #tpu.memory_space<hbm>>
      %dma_wait3A_960 = tpu.memref_slice %arg8[%dma_wait3A_953] : memref<6x!tpu.dma_semaphore, #tpu.memory_space<semaphore_mem>> -> memref<1x!tpu.dma_semaphore, #tpu.memory_space<semaphore_mem>>
      %dma_wait3A_961 = tpu.memref_squeeze %dma_wait3A_960 : memref<1x!tpu.dma_semaphore, #tpu.memory_space<semaphore_mem>> -> memref<!tpu.dma_semaphore, #tpu.memory_space<semaphore_mem>>
      %dma_wait3A_962 = arith.constant 0 : i32
      %dma_wait3A_963 = tpu.memref_slice %arg4[%add3A_951, %dma_wait3A_962] : memref<819200x128xf32, #tpu.memory_space<hbm>> -> memref<128x128xf32, #tpu.memory_space<hbm>>
      %dma_wait3A_964 = arith.constant 0 : i32
      %dma_wait3A_965 = arith.constant 0 : i32
      %dma_wait3A_966 = tpu.memref_slice %arg6[%dma_wait3A_952, %dma_wait3A_964, %dma_wait3A_965] : memref<6x128x128xf32, #tpu.memory_space<vmem>> -> memref<1x128x128xf32, #tpu.memory_space<vmem>>
      %dma_wait3A_967 = tpu.memref_squeeze %dma_wait3A_966 : memref<1x128x128xf32, #tpu.memory_space<vmem>> -> memref<128x128xf32, #tpu.memory_space<vmem>>
      tpu.wait_dma2 semaphore(%dma_wait3A_961 : memref<!tpu.dma_semaphore, #tpu.memory_space<semaphore_mem>>) src(%dma_wait3A_967 : memref<128x128xf32, #tpu.memory_space<vmem>>) dst(%dma_wait3A_963 : memref<128x128xf32, #tpu.memory_space<hbm>>)
      %dma_start3A_968 = arith.constant 5 : i32
      %dma_start3A_969 = arith.constant 5 : i32
      %dma_start3A_970 = arith.constant 0 : i32
      %dma_start3A_971 = arith.constant 0 : i32
      %dma_start3A_972 = tpu.memref_slice %arg6[%dma_start3A_968, %dma_start3A_970, %dma_start3A_971] : memref<6x128x128xf32, #tpu.memory_space<vmem>> -> memref<1x128x128xf32, #tpu.memory_space<vmem>>
      %dma_start3A_973 = tpu.memref_squeeze %dma_start3A_972 : memref<1x128x128xf32, #tpu.memory_space<vmem>> -> memref<128x128xf32, #tpu.memory_space<vmem>>
      %dma_start3A_974 = arith.constant 0 : i32
      %dma_start3A_975 = tpu.memref_slice %arg5[%add3A_909, %dma_start3A_974] : memref<200x128xi32, #tpu.memory_space<vmem>> -> memref<1x128xi32, #tpu.memory_space<vmem>>
      %dma_start3A_976 = tpu.memref_squeeze %dma_start3A_975 : memref<1x128xi32, #tpu.memory_space<vmem>> -> memref<128xi32, #tpu.memory_space<vmem>>
      %dma_start3A_977 = arith.constant 0 : i32
      %dma_start3A_978 = arith.constant 0 : i32
      %dma_start3A_979 = tpu.memref_slice %arg3[%dma_start3A_977, %dma_start3A_978] : memref<100000x128xf32, #tpu.memory_space<hbm>> -> memref<100000x128xf32, #tpu.memory_space<hbm>>
      %dma_start3A_980 = tpu.memref_slice %arg7[%dma_start3A_969] : memref<6x!tpu.dma_semaphore, #tpu.memory_space<semaphore_mem>> -> memref<1x!tpu.dma_semaphore, #tpu.memory_space<semaphore_mem>>
      %dma_start3A_981 = tpu.memref_squeeze %dma_start3A_980 : memref<1x!tpu.dma_semaphore, #tpu.memory_space<semaphore_mem>> -> memref<!tpu.dma_semaphore, #tpu.memory_space<semaphore_mem>>
      tpu.enqueue_indirect_dma source(%dma_start3A_979 : memref<100000x128xf32, #tpu.memory_space<hbm>>) target(%dma_start3A_973 : memref<128x128xf32, #tpu.memory_space<vmem>>) offsets(%dma_start3A_976 : memref<128xi32, #tpu.memory_space<vmem>>) semaphore(%dma_start3A_981 : memref<!tpu.dma_semaphore, #tpu.memory_space<semaphore_mem>>)
    }
    %scan3A_194 = arith.constant 32 : i32
    %dma_wait3A_195 = arith.constant 195 : i32
    %dma_wait3A_196 = arith.constant 3 : i32
    %dma_wait3A_197 = arith.constant 3 : i32
    %dma_wait3A_198 = arith.constant 0 : i32
    %dma_wait3A_199 = arith.constant 0 : i32
    %dma_wait3A_200 = tpu.memref_slice %arg6[%dma_wait3A_196, %dma_wait3A_198, %dma_wait3A_199] : memref<6x128x128xf32, #tpu.memory_space<vmem>> -> memref<1x128x128xf32, #tpu.memory_space<vmem>>
    %dma_wait3A_201 = tpu.memref_squeeze %dma_wait3A_200 : memref<1x128x128xf32, #tpu.memory_space<vmem>> -> memref<128x128xf32, #tpu.memory_space<vmem>>
    %dma_wait3A_202 = arith.constant 0 : i32
    %dma_wait3A_203 = tpu.memref_slice %arg5[%dma_wait3A_195, %dma_wait3A_202] : memref<200x128xi32, #tpu.memory_space<vmem>> -> memref<1x128xi32, #tpu.memory_space<vmem>>
    %dma_wait3A_204 = tpu.memref_squeeze %dma_wait3A_203 : memref<1x128xi32, #tpu.memory_space<vmem>> -> memref<128xi32, #tpu.memory_space<vmem>>
    %dma_wait3A_205 = arith.constant 0 : i32
    %dma_wait3A_206 = arith.constant 0 : i32
    %dma_wait3A_207 = tpu.memref_slice %arg3[%dma_wait3A_205, %dma_wait3A_206] : memref<100000x128xf32, #tpu.memory_space<hbm>> -> memref<100000x128xf32, #tpu.memory_space<hbm>>
    %dma_wait3A_208 = tpu.memref_slice %arg7[%dma_wait3A_197] : memref<6x!tpu.dma_semaphore, #tpu.memory_space<semaphore_mem>> -> memref<1x!tpu.dma_semaphore, #tpu.memory_space<semaphore_mem>>
    %dma_wait3A_209 = tpu.memref_squeeze %dma_wait3A_208 : memref<1x!tpu.dma_semaphore, #tpu.memory_space<semaphore_mem>> -> memref<!tpu.dma_semaphore, #tpu.memory_space<semaphore_mem>>
    tpu.wait_indirect_dma semaphore(%dma_wait3A_209 : memref<!tpu.dma_semaphore, #tpu.memory_space<semaphore_mem>>) src(%dma_wait3A_207 : memref<100000x128xf32, #tpu.memory_space<hbm>>) dst(%dma_wait3A_201 : memref<128x128xf32, #tpu.memory_space<vmem>>)
    %add3A_210 = arith.constant 24960 : i32
    %add3A_211 = arith.addi %mul3A_2, %add3A_210 : i32
    %dma_start3A_212 = arith.constant 3 : i32
    %dma_start3A_213 = arith.constant 3 : i32
    %dma_start3A_214 = arith.constant 0 : i32
    %dma_start3A_215 = arith.constant 0 : i32
    %dma_start3A_216 = tpu.memref_slice %arg6[%dma_start3A_212, %dma_start3A_214, %dma_start3A_215] : memref<6x128x128xf32, #tpu.memory_space<vmem>> -> memref<1x128x128xf32, #tpu.memory_space<vmem>>
    %dma_start3A_217 = tpu.memref_squeeze %dma_start3A_216 : memref<1x128x128xf32, #tpu.memory_space<vmem>> -> memref<128x128xf32, #tpu.memory_space<vmem>>
    %dma_start3A_218 = arith.constant 0 : i32
    %dma_start3A_219 = tpu.memref_slice %arg4[%add3A_211, %dma_start3A_218] : memref<819200x128xf32, #tpu.memory_space<hbm>> -> memref<128x128xf32, #tpu.memory_space<hbm>>
    %dma_start3A_220 = tpu.memref_slice %arg8[%dma_start3A_213] : memref<6x!tpu.dma_semaphore, #tpu.memory_space<semaphore_mem>> -> memref<1x!tpu.dma_semaphore, #tpu.memory_space<semaphore_mem>>
    %dma_start3A_221 = tpu.memref_squeeze %dma_start3A_220 : memref<1x!tpu.dma_semaphore, #tpu.memory_space<semaphore_mem>> -> memref<!tpu.dma_semaphore, #tpu.memory_space<semaphore_mem>>
    %dma_start3A_222 = arith.constant 0 : i32
    %dma_start3A_223 = tpu.memref_slice %arg4[%add3A_211, %dma_start3A_222] : memref<819200x128xf32, #tpu.memory_space<hbm>> -> memref<128x128xf32, #tpu.memory_space<hbm>>
    %dma_start3A_224 = arith.constant 0 : i32
    %dma_start3A_225 = arith.constant 0 : i32
    %dma_start3A_226 = tpu.memref_slice %arg6[%dma_start3A_212, %dma_start3A_224, %dma_start3A_225] : memref<6x128x128xf32, #tpu.memory_space<vmem>> -> memref<1x128x128xf32, #tpu.memory_space<vmem>>
    %dma_start3A_227 = tpu.memref_squeeze %dma_start3A_226 : memref<1x128x128xf32, #tpu.memory_space<vmem>> -> memref<128x128xf32, #tpu.memory_space<vmem>>
    tpu.enqueue_dma source(%dma_start3A_227 : memref<128x128xf32, #tpu.memory_space<vmem>>) target(%dma_start3A_223 : memref<128x128xf32, #tpu.memory_space<hbm>>) target_semaphore(%dma_start3A_221 : memref<!tpu.dma_semaphore, #tpu.memory_space<semaphore_mem>>)
    %add3A_228 = arith.constant 24576 : i32
    %add3A_229 = arith.addi %mul3A_2, %add3A_228 : i32
    %dma_wait3A_230 = arith.constant 0 : i32
    %dma_wait3A_231 = arith.constant 0 : i32
    %dma_wait3A_232 = arith.constant 0 : i32
    %dma_wait3A_233 = arith.constant 0 : i32
    %dma_wait3A_234 = tpu.memref_slice %arg6[%dma_wait3A_230, %dma_wait3A_232, %dma_wait3A_233] : memref<6x128x128xf32, #tpu.memory_space<vmem>> -> memref<1x128x128xf32, #tpu.memory_space<vmem>>
    %dma_wait3A_235 = tpu.memref_squeeze %dma_wait3A_234 : memref<1x128x128xf32, #tpu.memory_space<vmem>> -> memref<128x128xf32, #tpu.memory_space<vmem>>
    %dma_wait3A_236 = arith.constant 0 : i32
    %dma_wait3A_237 = tpu.memref_slice %arg4[%add3A_229, %dma_wait3A_236] : memref<819200x128xf32, #tpu.memory_space<hbm>> -> memref<128x128xf32, #tpu.memory_space<hbm>>
    %dma_wait3A_238 = tpu.memref_slice %arg8[%dma_wait3A_231] : memref<6x!tpu.dma_semaphore, #tpu.memory_space<semaphore_mem>> -> memref<1x!tpu.dma_semaphore, #tpu.memory_space<semaphore_mem>>
    %dma_wait3A_239 = tpu.memref_squeeze %dma_wait3A_238 : memref<1x!tpu.dma_semaphore, #tpu.memory_space<semaphore_mem>> -> memref<!tpu.dma_semaphore, #tpu.memory_space<semaphore_mem>>
    %dma_wait3A_240 = arith.constant 0 : i32
    %dma_wait3A_241 = tpu.memref_slice %arg4[%add3A_229, %dma_wait3A_240] : memref<819200x128xf32, #tpu.memory_space<hbm>> -> memref<128x128xf32, #tpu.memory_space<hbm>>
    %dma_wait3A_242 = arith.constant 0 : i32
    %dma_wait3A_243 = arith.constant 0 : i32
    %dma_wait3A_244 = tpu.memref_slice %arg6[%dma_wait3A_230, %dma_wait3A_242, %dma_wait3A_243] : memref<6x128x128xf32, #tpu.memory_space<vmem>> -> memref<1x128x128xf32, #tpu.memory_space<vmem>>
    %dma_wait3A_245 = tpu.memref_squeeze %dma_wait3A_244 : memref<1x128x128xf32, #tpu.memory_space<vmem>> -> memref<128x128xf32, #tpu.memory_space<vmem>>
    tpu.wait_dma2 semaphore(%dma_wait3A_239 : memref<!tpu.dma_semaphore, #tpu.memory_space<semaphore_mem>>) src(%dma_wait3A_245 : memref<128x128xf32, #tpu.memory_space<vmem>>) dst(%dma_wait3A_241 : memref<128x128xf32, #tpu.memory_space<hbm>>)
    %dma_start3A_246 = arith.constant 198 : i32
    %dma_start3A_247 = arith.constant 0 : i32
    %dma_start3A_248 = arith.constant 0 : i32
    %dma_start3A_249 = arith.constant 0 : i32
    %dma_start3A_250 = arith.constant 0 : i32
    %dma_start3A_251 = tpu.memref_slice %arg6[%dma_start3A_247, %dma_start3A_249, %dma_start3A_250] : memref<6x128x128xf32, #tpu.memory_space<vmem>> -> memref<1x128x128xf32, #tpu.memory_space<vmem>>
    %dma_start3A_252 = tpu.memref_squeeze %dma_start3A_251 : memref<1x128x128xf32, #tpu.memory_space<vmem>> -> memref<128x128xf32, #tpu.memory_space<vmem>>
    %dma_start3A_253 = arith.constant 0 : i32
    %dma_start3A_254 = tpu.memref_slice %arg5[%dma_start3A_246, %dma_start3A_253] : memref<200x128xi32, #tpu.memory_space<vmem>> -> memref<1x128xi32, #tpu.memory_space<vmem>>
    %dma_start3A_255 = tpu.memref_squeeze %dma_start3A_254 : memref<1x128xi32, #tpu.memory_space<vmem>> -> memref<128xi32, #tpu.memory_space<vmem>>
    %dma_start3A_256 = arith.constant 0 : i32
    %dma_start3A_257 = arith.constant 0 : i32
    %dma_start3A_258 = tpu.memref_slice %arg3[%dma_start3A_256, %dma_start3A_257] : memref<100000x128xf32, #tpu.memory_space<hbm>> -> memref<100000x128xf32, #tpu.memory_space<hbm>>
    %dma_start3A_259 = tpu.memref_slice %arg7[%dma_start3A_248] : memref<6x!tpu.dma_semaphore, #tpu.memory_space<semaphore_mem>> -> memref<1x!tpu.dma_semaphore, #tpu.memory_space<semaphore_mem>>
    %dma_start3A_260 = tpu.memref_squeeze %dma_start3A_259 : memref<1x!tpu.dma_semaphore, #tpu.memory_space<semaphore_mem>> -> memref<!tpu.dma_semaphore, #tpu.memory_space<semaphore_mem>>
    tpu.enqueue_indirect_dma source(%dma_start3A_258 : memref<100000x128xf32, #tpu.memory_space<hbm>>) target(%dma_start3A_252 : memref<128x128xf32, #tpu.memory_space<vmem>>) offsets(%dma_start3A_255 : memref<128xi32, #tpu.memory_space<vmem>>) semaphore(%dma_start3A_260 : memref<!tpu.dma_semaphore, #tpu.memory_space<semaphore_mem>>)
    %dma_wait3A_261 = arith.constant 196 : i32
    %dma_wait3A_262 = arith.constant 4 : i32
    %dma_wait3A_263 = arith.constant 4 : i32
    %dma_wait3A_264 = arith.constant 0 : i32
    %dma_wait3A_265 = arith.constant 0 : i32
    %dma_wait3A_266 = tpu.memref_slice %arg6[%dma_wait3A_262, %dma_wait3A_264, %dma_wait3A_265] : memref<6x128x128xf32, #tpu.memory_space<vmem>> -> memref<1x128x128xf32, #tpu.memory_space<vmem>>
    %dma_wait3A_267 = tpu.memref_squeeze %dma_wait3A_266 : memref<1x128x128xf32, #tpu.memory_space<vmem>> -> memref<128x128xf32, #tpu.memory_space<vmem>>
    %dma_wait3A_268 = arith.constant 0 : i32
    %dma_wait3A_269 = tpu.memref_slice %arg5[%dma_wait3A_261, %dma_wait3A_268] : memref<200x128xi32, #tpu.memory_space<vmem>> -> memref<1x128xi32, #tpu.memory_space<vmem>>
    %dma_wait3A_270 = tpu.memref_squeeze %dma_wait3A_269 : memref<1x128xi32, #tpu.memory_space<vmem>> -> memref<128xi32, #tpu.memory_space<vmem>>
    %dma_wait3A_271 = arith.constant 0 : i32
    %dma_wait3A_272 = arith.constant 0 : i32
    %dma_wait3A_273 = tpu.memref_slice %arg3[%dma_wait3A_271, %dma_wait3A_272] : memref<100000x128xf32, #tpu.memory_space<hbm>> -> memref<100000x128xf32, #tpu.memory_space<hbm>>
    %dma_wait3A_274 = tpu.memref_slice %arg7[%dma_wait3A_263] : memref<6x!tpu.dma_semaphore, #tpu.memory_space<semaphore_mem>> -> memref<1x!tpu.dma_semaphore, #tpu.memory_space<semaphore_mem>>
    %dma_wait3A_275 = tpu.memref_squeeze %dma_wait3A_274 : memref<1x!tpu.dma_semaphore, #tpu.memory_space<semaphore_mem>> -> memref<!tpu.dma_semaphore, #tpu.memory_space<semaphore_mem>>
    tpu.wait_indirect_dma semaphore(%dma_wait3A_275 : memref<!tpu.dma_semaphore, #tpu.memory_space<semaphore_mem>>) src(%dma_wait3A_273 : memref<100000x128xf32, #tpu.memory_space<hbm>>) dst(%dma_wait3A_267 : memref<128x128xf32, #tpu.memory_space<vmem>>)
    %add3A_276 = arith.constant 25088 : i32
    %add3A_277 = arith.addi %mul3A_2, %add3A_276 : i32
    %dma_start3A_278 = arith.constant 4 : i32
    %dma_start3A_279 = arith.constant 4 : i32
    %dma_start3A_280 = arith.constant 0 : i32
    %dma_start3A_281 = arith.constant 0 : i32
    %dma_start3A_282 = tpu.memref_slice %arg6[%dma_start3A_278, %dma_start3A_280, %dma_start3A_281] : memref<6x128x128xf32, #tpu.memory_space<vmem>> -> memref<1x128x128xf32, #tpu.memory_space<vmem>>
    %dma_start3A_283 = tpu.memref_squeeze %dma_start3A_282 : memref<1x128x128xf32, #tpu.memory_space<vmem>> -> memref<128x128xf32, #tpu.memory_space<vmem>>
    %dma_start3A_284 = arith.constant 0 : i32
    %dma_start3A_285 = tpu.memref_slice %arg4[%add3A_277, %dma_start3A_284] : memref<819200x128xf32, #tpu.memory_space<hbm>> -> memref<128x128xf32, #tpu.memory_space<hbm>>
    %dma_start3A_286 = tpu.memref_slice %arg8[%dma_start3A_279] : memref<6x!tpu.dma_semaphore, #tpu.memory_space<semaphore_mem>> -> memref<1x!tpu.dma_semaphore, #tpu.memory_space<semaphore_mem>>
    %dma_start3A_287 = tpu.memref_squeeze %dma_start3A_286 : memref<1x!tpu.dma_semaphore, #tpu.memory_space<semaphore_mem>> -> memref<!tpu.dma_semaphore, #tpu.memory_space<semaphore_mem>>
    %dma_start3A_288 = arith.constant 0 : i32
    %dma_start3A_289 = tpu.memref_slice %arg4[%add3A_277, %dma_start3A_288] : memref<819200x128xf32, #tpu.memory_space<hbm>> -> memref<128x128xf32, #tpu.memory_space<hbm>>
    %dma_start3A_290 = arith.constant 0 : i32
    %dma_start3A_291 = arith.constant 0 : i32
    %dma_start3A_292 = tpu.memref_slice %arg6[%dma_start3A_278, %dma_start3A_290, %dma_start3A_291] : memref<6x128x128xf32, #tpu.memory_space<vmem>> -> memref<1x128x128xf32, #tpu.memory_space<vmem>>
    %dma_start3A_293 = tpu.memref_squeeze %dma_start3A_292 : memref<1x128x128xf32, #tpu.memory_space<vmem>> -> memref<128x128xf32, #tpu.memory_space<vmem>>
    tpu.enqueue_dma source(%dma_start3A_293 : memref<128x128xf32, #tpu.memory_space<vmem>>) target(%dma_start3A_289 : memref<128x128xf32, #tpu.memory_space<hbm>>) target_semaphore(%dma_start3A_287 : memref<!tpu.dma_semaphore, #tpu.memory_space<semaphore_mem>>)
    %add3A_294 = arith.constant 24704 : i32
    %add3A_295 = arith.addi %mul3A_2, %add3A_294 : i32
    %dma_wait3A_296 = arith.constant 1 : i32
    %dma_wait3A_297 = arith.constant 1 : i32
    %dma_wait3A_298 = arith.constant 0 : i32
    %dma_wait3A_299 = arith.constant 0 : i32
    %dma_wait3A_300 = tpu.memref_slice %arg6[%dma_wait3A_296, %dma_wait3A_298, %dma_wait3A_299] : memref<6x128x128xf32, #tpu.memory_space<vmem>> -> memref<1x128x128xf32, #tpu.memory_space<vmem>>
    %dma_wait3A_301 = tpu.memref_squeeze %dma_wait3A_300 : memref<1x128x128xf32, #tpu.memory_space<vmem>> -> memref<128x128xf32, #tpu.memory_space<vmem>>
    %dma_wait3A_302 = arith.constant 0 : i32
    %dma_wait3A_303 = tpu.memref_slice %arg4[%add3A_295, %dma_wait3A_302] : memref<819200x128xf32, #tpu.memory_space<hbm>> -> memref<128x128xf32, #tpu.memory_space<hbm>>
    %dma_wait3A_304 = tpu.memref_slice %arg8[%dma_wait3A_297] : memref<6x!tpu.dma_semaphore, #tpu.memory_space<semaphore_mem>> -> memref<1x!tpu.dma_semaphore, #tpu.memory_space<semaphore_mem>>
    %dma_wait3A_305 = tpu.memref_squeeze %dma_wait3A_304 : memref<1x!tpu.dma_semaphore, #tpu.memory_space<semaphore_mem>> -> memref<!tpu.dma_semaphore, #tpu.memory_space<semaphore_mem>>
    %dma_wait3A_306 = arith.constant 0 : i32
    %dma_wait3A_307 = tpu.memref_slice %arg4[%add3A_295, %dma_wait3A_306] : memref<819200x128xf32, #tpu.memory_space<hbm>> -> memref<128x128xf32, #tpu.memory_space<hbm>>
    %dma_wait3A_308 = arith.constant 0 : i32
    %dma_wait3A_309 = arith.constant 0 : i32
    %dma_wait3A_310 = tpu.memref_slice %arg6[%dma_wait3A_296, %dma_wait3A_308, %dma_wait3A_309] : memref<6x128x128xf32, #tpu.memory_space<vmem>> -> memref<1x128x128xf32, #tpu.memory_space<vmem>>
    %dma_wait3A_311 = tpu.memref_squeeze %dma_wait3A_310 : memref<1x128x128xf32, #tpu.memory_space<vmem>> -> memref<128x128xf32, #tpu.memory_space<vmem>>
    tpu.wait_dma2 semaphore(%dma_wait3A_305 : memref<!tpu.dma_semaphore, #tpu.memory_space<semaphore_mem>>) src(%dma_wait3A_311 : memref<128x128xf32, #tpu.memory_space<vmem>>) dst(%dma_wait3A_307 : memref<128x128xf32, #tpu.memory_space<hbm>>)
    %dma_start3A_312 = arith.constant 199 : i32
    %dma_start3A_313 = arith.constant 1 : i32
    %dma_start3A_314 = arith.constant 1 : i32
    %dma_start3A_315 = arith.constant 0 : i32
    %dma_start3A_316 = arith.constant 0 : i32
    %dma_start3A_317 = tpu.memref_slice %arg6[%dma_start3A_313, %dma_start3A_315, %dma_start3A_316] : memref<6x128x128xf32, #tpu.memory_space<vmem>> -> memref<1x128x128xf32, #tpu.memory_space<vmem>>
    %dma_start3A_318 = tpu.memref_squeeze %dma_start3A_317 : memref<1x128x128xf32, #tpu.memory_space<vmem>> -> memref<128x128xf32, #tpu.memory_space<vmem>>
    %dma_start3A_319 = arith.constant 0 : i32
    %dma_start3A_320 = tpu.memref_slice %arg5[%dma_start3A_312, %dma_start3A_319] : memref<200x128xi32, #tpu.memory_space<vmem>> -> memref<1x128xi32, #tpu.memory_space<vmem>>
    %dma_start3A_321 = tpu.memref_squeeze %dma_start3A_320 : memref<1x128xi32, #tpu.memory_space<vmem>> -> memref<128xi32, #tpu.memory_space<vmem>>
    %dma_start3A_322 = arith.constant 0 : i32
    %dma_start3A_323 = arith.constant 0 : i32
    %dma_start3A_324 = tpu.memref_slice %arg3[%dma_start3A_322, %dma_start3A_323] : memref<100000x128xf32, #tpu.memory_space<hbm>> -> memref<100000x128xf32, #tpu.memory_space<hbm>>
    %dma_start3A_325 = tpu.memref_slice %arg7[%dma_start3A_314] : memref<6x!tpu.dma_semaphore, #tpu.memory_space<semaphore_mem>> -> memref<1x!tpu.dma_semaphore, #tpu.memory_space<semaphore_mem>>
    %dma_start3A_326 = tpu.memref_squeeze %dma_start3A_325 : memref<1x!tpu.dma_semaphore, #tpu.memory_space<semaphore_mem>> -> memref<!tpu.dma_semaphore, #tpu.memory_space<semaphore_mem>>
    tpu.enqueue_indirect_dma source(%dma_start3A_324 : memref<100000x128xf32, #tpu.memory_space<hbm>>) target(%dma_start3A_318 : memref<128x128xf32, #tpu.memory_space<vmem>>) offsets(%dma_start3A_321 : memref<128xi32, #tpu.memory_space<vmem>>) semaphore(%dma_start3A_326 : memref<!tpu.dma_semaphore, #tpu.memory_space<semaphore_mem>>)
    %dma_wait3A_327 = arith.constant 197 : i32
    %dma_wait3A_328 = arith.constant 5 : i32
    %dma_wait3A_329 = arith.constant 5 : i32
    %dma_wait3A_330 = arith.constant 0 : i32
    %dma_wait3A_331 = arith.constant 0 : i32
    %dma_wait3A_332 = tpu.memref_slice %arg6[%dma_wait3A_328, %dma_wait3A_330, %dma_wait3A_331] : memref<6x128x128xf32, #tpu.memory_space<vmem>> -> memref<1x128x128xf32, #tpu.memory_space<vmem>>
    %dma_wait3A_333 = tpu.memref_squeeze %dma_wait3A_332 : memref<1x128x128xf32, #tpu.memory_space<vmem>> -> memref<128x128xf32, #tpu.memory_space<vmem>>
    %dma_wait3A_334 = arith.constant 0 : i32
    %dma_wait3A_335 = tpu.memref_slice %arg5[%dma_wait3A_327, %dma_wait3A_334] : memref<200x128xi32, #tpu.memory_space<vmem>> -> memref<1x128xi32, #tpu.memory_space<vmem>>
    %dma_wait3A_336 = tpu.memref_squeeze %dma_wait3A_335 : memref<1x128xi32, #tpu.memory_space<vmem>> -> memref<128xi32, #tpu.memory_space<vmem>>
    %dma_wait3A_337 = arith.constant 0 : i32
    %dma_wait3A_338 = arith.constant 0 : i32
    %dma_wait3A_339 = tpu.memref_slice %arg3[%dma_wait3A_337, %dma_wait3A_338] : memref<100000x128xf32, #tpu.memory_space<hbm>> -> memref<100000x128xf32, #tpu.memory_space<hbm>>
    %dma_wait3A_340 = tpu.memref_slice %arg7[%dma_wait3A_329] : memref<6x!tpu.dma_semaphore, #tpu.memory_space<semaphore_mem>> -> memref<1x!tpu.dma_semaphore, #tpu.memory_space<semaphore_mem>>
    %dma_wait3A_341 = tpu.memref_squeeze %dma_wait3A_340 : memref<1x!tpu.dma_semaphore, #tpu.memory_space<semaphore_mem>> -> memref<!tpu.dma_semaphore, #tpu.memory_space<semaphore_mem>>
    tpu.wait_indirect_dma semaphore(%dma_wait3A_341 : memref<!tpu.dma_semaphore, #tpu.memory_space<semaphore_mem>>) src(%dma_wait3A_339 : memref<100000x128xf32, #tpu.memory_space<hbm>>) dst(%dma_wait3A_333 : memref<128x128xf32, #tpu.memory_space<vmem>>)
    %add3A_342 = arith.constant 25216 : i32
    %add3A_343 = arith.addi %mul3A_2, %add3A_342 : i32
    %dma_start3A_344 = arith.constant 5 : i32
    %dma_start3A_345 = arith.constant 5 : i32
    %dma_start3A_346 = arith.constant 0 : i32
    %dma_start3A_347 = arith.constant 0 : i32
    %dma_start3A_348 = tpu.memref_slice %arg6[%dma_start3A_344, %dma_start3A_346, %dma_start3A_347] : memref<6x128x128xf32, #tpu.memory_space<vmem>> -> memref<1x128x128xf32, #tpu.memory_space<vmem>>
    %dma_start3A_349 = tpu.memref_squeeze %dma_start3A_348 : memref<1x128x128xf32, #tpu.memory_space<vmem>> -> memref<128x128xf32, #tpu.memory_space<vmem>>
    %dma_start3A_350 = arith.constant 0 : i32
    %dma_start3A_351 = tpu.memref_slice %arg4[%add3A_343, %dma_start3A_350] : memref<819200x128xf32, #tpu.memory_space<hbm>> -> memref<128x128xf32, #tpu.memory_space<hbm>>
    %dma_start3A_352 = tpu.memref_slice %arg8[%dma_start3A_345] : memref<6x!tpu.dma_semaphore, #tpu.memory_space<semaphore_mem>> -> memref<1x!tpu.dma_semaphore, #tpu.memory_space<semaphore_mem>>
    %dma_start3A_353 = tpu.memref_squeeze %dma_start3A_352 : memref<1x!tpu.dma_semaphore, #tpu.memory_space<semaphore_mem>> -> memref<!tpu.dma_semaphore, #tpu.memory_space<semaphore_mem>>
    %dma_start3A_354 = arith.constant 0 : i32
    %dma_start3A_355 = tpu.memref_slice %arg4[%add3A_343, %dma_start3A_354] : memref<819200x128xf32, #tpu.memory_space<hbm>> -> memref<128x128xf32, #tpu.memory_space<hbm>>
    %dma_start3A_356 = arith.constant 0 : i32
    %dma_start3A_357 = arith.constant 0 : i32
    %dma_start3A_358 = tpu.memref_slice %arg6[%dma_start3A_344, %dma_start3A_356, %dma_start3A_357] : memref<6x128x128xf32, #tpu.memory_space<vmem>> -> memref<1x128x128xf32, #tpu.memory_space<vmem>>
    %dma_start3A_359 = tpu.memref_squeeze %dma_start3A_358 : memref<1x128x128xf32, #tpu.memory_space<vmem>> -> memref<128x128xf32, #tpu.memory_space<vmem>>
    tpu.enqueue_dma source(%dma_start3A_359 : memref<128x128xf32, #tpu.memory_space<vmem>>) target(%dma_start3A_355 : memref<128x128xf32, #tpu.memory_space<hbm>>) target_semaphore(%dma_start3A_353 : memref<!tpu.dma_semaphore, #tpu.memory_space<semaphore_mem>>)
    %dma_wait3A_360 = arith.constant 198 : i32
    %dma_wait3A_361 = arith.constant 0 : i32
    %dma_wait3A_362 = arith.constant 0 : i32
    %dma_wait3A_363 = arith.constant 0 : i32
    %dma_wait3A_364 = arith.constant 0 : i32
    %dma_wait3A_365 = tpu.memref_slice %arg6[%dma_wait3A_361, %dma_wait3A_363, %dma_wait3A_364] : memref<6x128x128xf32, #tpu.memory_space<vmem>> -> memref<1x128x128xf32, #tpu.memory_space<vmem>>
    %dma_wait3A_366 = tpu.memref_squeeze %dma_wait3A_365 : memref<1x128x128xf32, #tpu.memory_space<vmem>> -> memref<128x128xf32, #tpu.memory_space<vmem>>
    %dma_wait3A_367 = arith.constant 0 : i32
    %dma_wait3A_368 = tpu.memref_slice %arg5[%dma_wait3A_360, %dma_wait3A_367] : memref<200x128xi32, #tpu.memory_space<vmem>> -> memref<1x128xi32, #tpu.memory_space<vmem>>
    %dma_wait3A_369 = tpu.memref_squeeze %dma_wait3A_368 : memref<1x128xi32, #tpu.memory_space<vmem>> -> memref<128xi32, #tpu.memory_space<vmem>>
    %dma_wait3A_370 = arith.constant 0 : i32
    %dma_wait3A_371 = arith.constant 0 : i32
    %dma_wait3A_372 = tpu.memref_slice %arg3[%dma_wait3A_370, %dma_wait3A_371] : memref<100000x128xf32, #tpu.memory_space<hbm>> -> memref<100000x128xf32, #tpu.memory_space<hbm>>
    %dma_wait3A_373 = tpu.memref_slice %arg7[%dma_wait3A_362] : memref<6x!tpu.dma_semaphore, #tpu.memory_space<semaphore_mem>> -> memref<1x!tpu.dma_semaphore, #tpu.memory_space<semaphore_mem>>
    %dma_wait3A_374 = tpu.memref_squeeze %dma_wait3A_373 : memref<1x!tpu.dma_semaphore, #tpu.memory_space<semaphore_mem>> -> memref<!tpu.dma_semaphore, #tpu.memory_space<semaphore_mem>>
    tpu.wait_indirect_dma semaphore(%dma_wait3A_374 : memref<!tpu.dma_semaphore, #tpu.memory_space<semaphore_mem>>) src(%dma_wait3A_372 : memref<100000x128xf32, #tpu.memory_space<hbm>>) dst(%dma_wait3A_366 : memref<128x128xf32, #tpu.memory_space<vmem>>)
    %add3A_375 = arith.constant 25344 : i32
    %add3A_376 = arith.addi %mul3A_2, %add3A_375 : i32
    %dma_start3A_377 = arith.constant 0 : i32
    %dma_start3A_378 = arith.constant 0 : i32
    %dma_start3A_379 = arith.constant 0 : i32
    %dma_start3A_380 = arith.constant 0 : i32
    %dma_start3A_381 = tpu.memref_slice %arg6[%dma_start3A_377, %dma_start3A_379, %dma_start3A_380] : memref<6x128x128xf32, #tpu.memory_space<vmem>> -> memref<1x128x128xf32, #tpu.memory_space<vmem>>
    %dma_start3A_382 = tpu.memref_squeeze %dma_start3A_381 : memref<1x128x128xf32, #tpu.memory_space<vmem>> -> memref<128x128xf32, #tpu.memory_space<vmem>>
    %dma_start3A_383 = arith.constant 0 : i32
    %dma_start3A_384 = tpu.memref_slice %arg4[%add3A_376, %dma_start3A_383] : memref<819200x128xf32, #tpu.memory_space<hbm>> -> memref<128x128xf32, #tpu.memory_space<hbm>>
    %dma_start3A_385 = tpu.memref_slice %arg8[%dma_start3A_378] : memref<6x!tpu.dma_semaphore, #tpu.memory_space<semaphore_mem>> -> memref<1x!tpu.dma_semaphore, #tpu.memory_space<semaphore_mem>>
    %dma_start3A_386 = tpu.memref_squeeze %dma_start3A_385 : memref<1x!tpu.dma_semaphore, #tpu.memory_space<semaphore_mem>> -> memref<!tpu.dma_semaphore, #tpu.memory_space<semaphore_mem>>
    %dma_start3A_387 = arith.constant 0 : i32
    %dma_start3A_388 = tpu.memref_slice %arg4[%add3A_376, %dma_start3A_387] : memref<819200x128xf32, #tpu.memory_space<hbm>> -> memref<128x128xf32, #tpu.memory_space<hbm>>
    %dma_start3A_389 = arith.constant 0 : i32
    %dma_start3A_390 = arith.constant 0 : i32
    %dma_start3A_391 = tpu.memref_slice %arg6[%dma_start3A_377, %dma_start3A_389, %dma_start3A_390] : memref<6x128x128xf32, #tpu.memory_space<vmem>> -> memref<1x128x128xf32, #tpu.memory_space<vmem>>
    %dma_start3A_392 = tpu.memref_squeeze %dma_start3A_391 : memref<1x128x128xf32, #tpu.memory_space<vmem>> -> memref<128x128xf32, #tpu.memory_space<vmem>>
    tpu.enqueue_dma source(%dma_start3A_392 : memref<128x128xf32, #tpu.memory_space<vmem>>) target(%dma_start3A_388 : memref<128x128xf32, #tpu.memory_space<hbm>>) target_semaphore(%dma_start3A_386 : memref<!tpu.dma_semaphore, #tpu.memory_space<semaphore_mem>>)
    %dma_wait3A_393 = arith.constant 199 : i32
    %dma_wait3A_394 = arith.constant 1 : i32
    %dma_wait3A_395 = arith.constant 1 : i32
    %dma_wait3A_396 = arith.constant 0 : i32
    %dma_wait3A_397 = arith.constant 0 : i32
    %dma_wait3A_398 = tpu.memref_slice %arg6[%dma_wait3A_394, %dma_wait3A_396, %dma_wait3A_397] : memref<6x128x128xf32, #tpu.memory_space<vmem>> -> memref<1x128x128xf32, #tpu.memory_space<vmem>>
    %dma_wait3A_399 = tpu.memref_squeeze %dma_wait3A_398 : memref<1x128x128xf32, #tpu.memory_space<vmem>> -> memref<128x128xf32, #tpu.memory_space<vmem>>
    %dma_wait3A_400 = arith.constant 0 : i32
    %dma_wait3A_401 = tpu.memref_slice %arg5[%dma_wait3A_393, %dma_wait3A_400] : memref<200x128xi32, #tpu.memory_space<vmem>> -> memref<1x128xi32, #tpu.memory_space<vmem>>
    %dma_wait3A_402 = tpu.memref_squeeze %dma_wait3A_401 : memref<1x128xi32, #tpu.memory_space<vmem>> -> memref<128xi32, #tpu.memory_space<vmem>>
    %dma_wait3A_403 = arith.constant 0 : i32
    %dma_wait3A_404 = arith.constant 0 : i32
    %dma_wait3A_405 = tpu.memref_slice %arg3[%dma_wait3A_403, %dma_wait3A_404] : memref<100000x128xf32, #tpu.memory_space<hbm>> -> memref<100000x128xf32, #tpu.memory_space<hbm>>
    %dma_wait3A_406 = tpu.memref_slice %arg7[%dma_wait3A_395] : memref<6x!tpu.dma_semaphore, #tpu.memory_space<semaphore_mem>> -> memref<1x!tpu.dma_semaphore, #tpu.memory_space<semaphore_mem>>
    %dma_wait3A_407 = tpu.memref_squeeze %dma_wait3A_406 : memref<1x!tpu.dma_semaphore, #tpu.memory_space<semaphore_mem>> -> memref<!tpu.dma_semaphore, #tpu.memory_space<semaphore_mem>>
    tpu.wait_indirect_dma semaphore(%dma_wait3A_407 : memref<!tpu.dma_semaphore, #tpu.memory_space<semaphore_mem>>) src(%dma_wait3A_405 : memref<100000x128xf32, #tpu.memory_space<hbm>>) dst(%dma_wait3A_399 : memref<128x128xf32, #tpu.memory_space<vmem>>)
    %add3A_408 = arith.constant 25472 : i32
    %add3A_409 = arith.addi %mul3A_2, %add3A_408 : i32
    %dma_start3A_410 = arith.constant 1 : i32
    %dma_start3A_411 = arith.constant 1 : i32
    %dma_start3A_412 = arith.constant 0 : i32
    %dma_start3A_413 = arith.constant 0 : i32
    %dma_start3A_414 = tpu.memref_slice %arg6[%dma_start3A_410, %dma_start3A_412, %dma_start3A_413] : memref<6x128x128xf32, #tpu.memory_space<vmem>> -> memref<1x128x128xf32, #tpu.memory_space<vmem>>
    %dma_start3A_415 = tpu.memref_squeeze %dma_start3A_414 : memref<1x128x128xf32, #tpu.memory_space<vmem>> -> memref<128x128xf32, #tpu.memory_space<vmem>>
    %dma_start3A_416 = arith.constant 0 : i32
    %dma_start3A_417 = tpu.memref_slice %arg4[%add3A_409, %dma_start3A_416] : memref<819200x128xf32, #tpu.memory_space<hbm>> -> memref<128x128xf32, #tpu.memory_space<hbm>>
    %dma_start3A_418 = tpu.memref_slice %arg8[%dma_start3A_411] : memref<6x!tpu.dma_semaphore, #tpu.memory_space<semaphore_mem>> -> memref<1x!tpu.dma_semaphore, #tpu.memory_space<semaphore_mem>>
    %dma_start3A_419 = tpu.memref_squeeze %dma_start3A_418 : memref<1x!tpu.dma_semaphore, #tpu.memory_space<semaphore_mem>> -> memref<!tpu.dma_semaphore, #tpu.memory_space<semaphore_mem>>
    %dma_start3A_420 = arith.constant 0 : i32
    %dma_start3A_421 = tpu.memref_slice %arg4[%add3A_409, %dma_start3A_420] : memref<819200x128xf32, #tpu.memory_space<hbm>> -> memref<128x128xf32, #tpu.memory_space<hbm>>
    %dma_start3A_422 = arith.constant 0 : i32
    %dma_start3A_423 = arith.constant 0 : i32
    %dma_start3A_424 = tpu.memref_slice %arg6[%dma_start3A_410, %dma_start3A_422, %dma_start3A_423] : memref<6x128x128xf32, #tpu.memory_space<vmem>> -> memref<1x128x128xf32, #tpu.memory_space<vmem>>
    %dma_start3A_425 = tpu.memref_squeeze %dma_start3A_424 : memref<1x128x128xf32, #tpu.memory_space<vmem>> -> memref<128x128xf32, #tpu.memory_space<vmem>>
    tpu.enqueue_dma source(%dma_start3A_425 : memref<128x128xf32, #tpu.memory_space<vmem>>) target(%dma_start3A_421 : memref<128x128xf32, #tpu.memory_space<hbm>>) target_semaphore(%dma_start3A_419 : memref<!tpu.dma_semaphore, #tpu.memory_space<semaphore_mem>>)
    %add3A_426 = arith.constant 24832 : i32
    %add3A_427 = arith.addi %mul3A_2, %add3A_426 : i32
    %dma_wait3A_428 = arith.constant 2 : i32
    %dma_wait3A_429 = arith.constant 2 : i32
    %dma_wait3A_430 = arith.constant 0 : i32
    %dma_wait3A_431 = arith.constant 0 : i32
    %dma_wait3A_432 = tpu.memref_slice %arg6[%dma_wait3A_428, %dma_wait3A_430, %dma_wait3A_431] : memref<6x128x128xf32, #tpu.memory_space<vmem>> -> memref<1x128x128xf32, #tpu.memory_space<vmem>>
    %dma_wait3A_433 = tpu.memref_squeeze %dma_wait3A_432 : memref<1x128x128xf32, #tpu.memory_space<vmem>> -> memref<128x128xf32, #tpu.memory_space<vmem>>
    %dma_wait3A_434 = arith.constant 0 : i32
    %dma_wait3A_435 = tpu.memref_slice %arg4[%add3A_427, %dma_wait3A_434] : memref<819200x128xf32, #tpu.memory_space<hbm>> -> memref<128x128xf32, #tpu.memory_space<hbm>>
    %dma_wait3A_436 = tpu.memref_slice %arg8[%dma_wait3A_429] : memref<6x!tpu.dma_semaphore, #tpu.memory_space<semaphore_mem>> -> memref<1x!tpu.dma_semaphore, #tpu.memory_space<semaphore_mem>>
    %dma_wait3A_437 = tpu.memref_squeeze %dma_wait3A_436 : memref<1x!tpu.dma_semaphore, #tpu.memory_space<semaphore_mem>> -> memref<!tpu.dma_semaphore, #tpu.memory_space<semaphore_mem>>
    %dma_wait3A_438 = arith.constant 0 : i32
    %dma_wait3A_439 = tpu.memref_slice %arg4[%add3A_427, %dma_wait3A_438] : memref<819200x128xf32, #tpu.memory_space<hbm>> -> memref<128x128xf32, #tpu.memory_space<hbm>>
    %dma_wait3A_440 = arith.constant 0 : i32
    %dma_wait3A_441 = arith.constant 0 : i32
    %dma_wait3A_442 = tpu.memref_slice %arg6[%dma_wait3A_428, %dma_wait3A_440, %dma_wait3A_441] : memref<6x128x128xf32, #tpu.memory_space<vmem>> -> memref<1x128x128xf32, #tpu.memory_space<vmem>>
    %dma_wait3A_443 = tpu.memref_squeeze %dma_wait3A_442 : memref<1x128x128xf32, #tpu.memory_space<vmem>> -> memref<128x128xf32, #tpu.memory_space<vmem>>
    tpu.wait_dma2 semaphore(%dma_wait3A_437 : memref<!tpu.dma_semaphore, #tpu.memory_space<semaphore_mem>>) src(%dma_wait3A_443 : memref<128x128xf32, #tpu.memory_space<vmem>>) dst(%dma_wait3A_439 : memref<128x128xf32, #tpu.memory_space<hbm>>)
    %add3A_444 = arith.constant 24960 : i32
    %add3A_445 = arith.addi %mul3A_2, %add3A_444 : i32
    %dma_wait3A_446 = arith.constant 3 : i32
    %dma_wait3A_447 = arith.constant 3 : i32
    %dma_wait3A_448 = arith.constant 0 : i32
    %dma_wait3A_449 = arith.constant 0 : i32
    %dma_wait3A_450 = tpu.memref_slice %arg6[%dma_wait3A_446, %dma_wait3A_448, %dma_wait3A_449] : memref<6x128x128xf32, #tpu.memory_space<vmem>> -> memref<1x128x128xf32, #tpu.memory_space<vmem>>
    %dma_wait3A_451 = tpu.memref_squeeze %dma_wait3A_450 : memref<1x128x128xf32, #tpu.memory_space<vmem>> -> memref<128x128xf32, #tpu.memory_space<vmem>>
    %dma_wait3A_452 = arith.constant 0 : i32
    %dma_wait3A_453 = tpu.memref_slice %arg4[%add3A_445, %dma_wait3A_452] : memref<819200x128xf32, #tpu.memory_space<hbm>> -> memref<128x128xf32, #tpu.memory_space<hbm>>
    %dma_wait3A_454 = tpu.memref_slice %arg8[%dma_wait3A_447] : memref<6x!tpu.dma_semaphore, #tpu.memory_space<semaphore_mem>> -> memref<1x!tpu.dma_semaphore, #tpu.memory_space<semaphore_mem>>
    %dma_wait3A_455 = tpu.memref_squeeze %dma_wait3A_454 : memref<1x!tpu.dma_semaphore, #tpu.memory_space<semaphore_mem>> -> memref<!tpu.dma_semaphore, #tpu.memory_space<semaphore_mem>>
    %dma_wait3A_456 = arith.constant 0 : i32
    %dma_wait3A_457 = tpu.memref_slice %arg4[%add3A_445, %dma_wait3A_456] : memref<819200x128xf32, #tpu.memory_space<hbm>> -> memref<128x128xf32, #tpu.memory_space<hbm>>
    %dma_wait3A_458 = arith.constant 0 : i32
    %dma_wait3A_459 = arith.constant 0 : i32
    %dma_wait3A_460 = tpu.memref_slice %arg6[%dma_wait3A_446, %dma_wait3A_458, %dma_wait3A_459] : memref<6x128x128xf32, #tpu.memory_space<vmem>> -> memref<1x128x128xf32, #tpu.memory_space<vmem>>
    %dma_wait3A_461 = tpu.memref_squeeze %dma_wait3A_460 : memref<1x128x128xf32, #tpu.memory_space<vmem>> -> memref<128x128xf32, #tpu.memory_space<vmem>>
    tpu.wait_dma2 semaphore(%dma_wait3A_455 : memref<!tpu.dma_semaphore, #tpu.memory_space<semaphore_mem>>) src(%dma_wait3A_461 : memref<128x128xf32, #tpu.memory_space<vmem>>) dst(%dma_wait3A_457 : memref<128x128xf32, #tpu.memory_space<hbm>>)
    %add3A_462 = arith.constant 25088 : i32
    %add3A_463 = arith.addi %mul3A_2, %add3A_462 : i32
    %dma_wait3A_464 = arith.constant 4 : i32
    %dma_wait3A_465 = arith.constant 4 : i32
    %dma_wait3A_466 = arith.constant 0 : i32
    %dma_wait3A_467 = arith.constant 0 : i32
    %dma_wait3A_468 = tpu.memref_slice %arg6[%dma_wait3A_464, %dma_wait3A_466, %dma_wait3A_467] : memref<6x128x128xf32, #tpu.memory_space<vmem>> -> memref<1x128x128xf32, #tpu.memory_space<vmem>>
    %dma_wait3A_469 = tpu.memref_squeeze %dma_wait3A_468 : memref<1x128x128xf32, #tpu.memory_space<vmem>> -> memref<128x128xf32, #tpu.memory_space<vmem>>
    %dma_wait3A_470 = arith.constant 0 : i32
    %dma_wait3A_471 = tpu.memref_slice %arg4[%add3A_463, %dma_wait3A_470] : memref<819200x128xf32, #tpu.memory_space<hbm>> -> memref<128x128xf32, #tpu.memory_space<hbm>>
    %dma_wait3A_472 = tpu.memref_slice %arg8[%dma_wait3A_465] : memref<6x!tpu.dma_semaphore, #tpu.memory_space<semaphore_mem>> -> memref<1x!tpu.dma_semaphore, #tpu.memory_space<semaphore_mem>>
    %dma_wait3A_473 = tpu.memref_squeeze %dma_wait3A_472 : memref<1x!tpu.dma_semaphore, #tpu.memory_space<semaphore_mem>> -> memref<!tpu.dma_semaphore, #tpu.memory_space<semaphore_mem>>
    %dma_wait3A_474 = arith.constant 0 : i32
    %dma_wait3A_475 = tpu.memref_slice %arg4[%add3A_463, %dma_wait3A_474] : memref<819200x128xf32, #tpu.memory_space<hbm>> -> memref<128x128xf32, #tpu.memory_space<hbm>>
    %dma_wait3A_476 = arith.constant 0 : i32
    %dma_wait3A_477 = arith.constant 0 : i32
    %dma_wait3A_478 = tpu.memref_slice %arg6[%dma_wait3A_464, %dma_wait3A_476, %dma_wait3A_477] : memref<6x128x128xf32, #tpu.memory_space<vmem>> -> memref<1x128x128xf32, #tpu.memory_space<vmem>>
    %dma_wait3A_479 = tpu.memref_squeeze %dma_wait3A_478 : memref<1x128x128xf32, #tpu.memory_space<vmem>> -> memref<128x128xf32, #tpu.memory_space<vmem>>
    tpu.wait_dma2 semaphore(%dma_wait3A_473 : memref<!tpu.dma_semaphore, #tpu.memory_space<semaphore_mem>>) src(%dma_wait3A_479 : memref<128x128xf32, #tpu.memory_space<vmem>>) dst(%dma_wait3A_475 : memref<128x128xf32, #tpu.memory_space<hbm>>)
    %add3A_480 = arith.constant 25216 : i32
    %add3A_481 = arith.addi %mul3A_2, %add3A_480 : i32
    %dma_wait3A_482 = arith.constant 5 : i32
    %dma_wait3A_483 = arith.constant 5 : i32
    %dma_wait3A_484 = arith.constant 0 : i32
    %dma_wait3A_485 = arith.constant 0 : i32
    %dma_wait3A_486 = tpu.memref_slice %arg6[%dma_wait3A_482, %dma_wait3A_484, %dma_wait3A_485] : memref<6x128x128xf32, #tpu.memory_space<vmem>> -> memref<1x128x128xf32, #tpu.memory_space<vmem>>
    %dma_wait3A_487 = tpu.memref_squeeze %dma_wait3A_486 : memref<1x128x128xf32, #tpu.memory_space<vmem>> -> memref<128x128xf32, #tpu.memory_space<vmem>>
    %dma_wait3A_488 = arith.constant 0 : i32
    %dma_wait3A_489 = tpu.memref_slice %arg4[%add3A_481, %dma_wait3A_488] : memref<819200x128xf32, #tpu.memory_space<hbm>> -> memref<128x128xf32, #tpu.memory_space<hbm>>
    %dma_wait3A_490 = tpu.memref_slice %arg8[%dma_wait3A_483] : memref<6x!tpu.dma_semaphore, #tpu.memory_space<semaphore_mem>> -> memref<1x!tpu.dma_semaphore, #tpu.memory_space<semaphore_mem>>
    %dma_wait3A_491 = tpu.memref_squeeze %dma_wait3A_490 : memref<1x!tpu.dma_semaphore, #tpu.memory_space<semaphore_mem>> -> memref<!tpu.dma_semaphore, #tpu.memory_space<semaphore_mem>>
    %dma_wait3A_492 = arith.constant 0 : i32
    %dma_wait3A_493 = tpu.memref_slice %arg4[%add3A_481, %dma_wait3A_492] : memref<819200x128xf32, #tpu.memory_space<hbm>> -> memref<128x128xf32, #tpu.memory_space<hbm>>
    %dma_wait3A_494 = arith.constant 0 : i32
    %dma_wait3A_495 = arith.constant 0 : i32
    %dma_wait3A_496 = tpu.memref_slice %arg6[%dma_wait3A_482, %dma_wait3A_494, %dma_wait3A_495] : memref<6x128x128xf32, #tpu.memory_space<vmem>> -> memref<1x128x128xf32, #tpu.memory_space<vmem>>
    %dma_wait3A_497 = tpu.memref_squeeze %dma_wait3A_496 : memref<1x128x128xf32, #tpu.memory_space<vmem>> -> memref<128x128xf32, #tpu.memory_space<vmem>>
    tpu.wait_dma2 semaphore(%dma_wait3A_491 : memref<!tpu.dma_semaphore, #tpu.memory_space<semaphore_mem>>) src(%dma_wait3A_497 : memref<128x128xf32, #tpu.memory_space<vmem>>) dst(%dma_wait3A_493 : memref<128x128xf32, #tpu.memory_space<hbm>>)
    %add3A_498 = arith.constant 25344 : i32
    %add3A_499 = arith.addi %mul3A_2, %add3A_498 : i32
    %dma_wait3A_500 = arith.constant 0 : i32
    %dma_wait3A_501 = arith.constant 0 : i32
    %dma_wait3A_502 = arith.constant 0 : i32
    %dma_wait3A_503 = arith.constant 0 : i32
    %dma_wait3A_504 = tpu.memref_slice %arg6[%dma_wait3A_500, %dma_wait3A_502, %dma_wait3A_503] : memref<6x128x128xf32, #tpu.memory_space<vmem>> -> memref<1x128x128xf32, #tpu.memory_space<vmem>>
    %dma_wait3A_505 = tpu.memref_squeeze %dma_wait3A_504 : memref<1x128x128xf32, #tpu.memory_space<vmem>> -> memref<128x128xf32, #tpu.memory_space<vmem>>
    %dma_wait3A_506 = arith.constant 0 : i32
    %dma_wait3A_507 = tpu.memref_slice %arg4[%add3A_499, %dma_wait3A_506] : memref<819200x128xf32, #tpu.memory_space<hbm>> -> memref<128x128xf32, #tpu.memory_space<hbm>>
    %dma_wait3A_508 = tpu.memref_slice %arg8[%dma_wait3A_501] : memref<6x!tpu.dma_semaphore, #tpu.memory_space<semaphore_mem>> -> memref<1x!tpu.dma_semaphore, #tpu.memory_space<semaphore_mem>>
    %dma_wait3A_509 = tpu.memref_squeeze %dma_wait3A_508 : memref<1x!tpu.dma_semaphore, #tpu.memory_space<semaphore_mem>> -> memref<!tpu.dma_semaphore, #tpu.memory_space<semaphore_mem>>
    %dma_wait3A_510 = arith.constant 0 : i32
    %dma_wait3A_511 = tpu.memref_slice %arg4[%add3A_499, %dma_wait3A_510] : memref<819200x128xf32, #tpu.memory_space<hbm>> -> memref<128x128xf32, #tpu.memory_space<hbm>>
    %dma_wait3A_512 = arith.constant 0 : i32
    %dma_wait3A_513 = arith.constant 0 : i32
    %dma_wait3A_514 = tpu.memref_slice %arg6[%dma_wait3A_500, %dma_wait3A_512, %dma_wait3A_513] : memref<6x128x128xf32, #tpu.memory_space<vmem>> -> memref<1x128x128xf32, #tpu.memory_space<vmem>>
    %dma_wait3A_515 = tpu.memref_squeeze %dma_wait3A_514 : memref<1x128x128xf32, #tpu.memory_space<vmem>> -> memref<128x128xf32, #tpu.memory_space<vmem>>
    tpu.wait_dma2 semaphore(%dma_wait3A_509 : memref<!tpu.dma_semaphore, #tpu.memory_space<semaphore_mem>>) src(%dma_wait3A_515 : memref<128x128xf32, #tpu.memory_space<vmem>>) dst(%dma_wait3A_511 : memref<128x128xf32, #tpu.memory_space<hbm>>)
    %add3A_516 = arith.constant 25472 : i32
    %add3A_517 = arith.addi %mul3A_2, %add3A_516 : i32
    %dma_wait3A_518 = arith.constant 1 : i32
    %dma_wait3A_519 = arith.constant 1 : i32
    %dma_wait3A_520 = arith.constant 0 : i32
    %dma_wait3A_521 = arith.constant 0 : i32
    %dma_wait3A_522 = tpu.memref_slice %arg6[%dma_wait3A_518, %dma_wait3A_520, %dma_wait3A_521] : memref<6x128x128xf32, #tpu.memory_space<vmem>> -> memref<1x128x128xf32, #tpu.memory_space<vmem>>
    %dma_wait3A_523 = tpu.memref_squeeze %dma_wait3A_522 : memref<1x128x128xf32, #tpu.memory_space<vmem>> -> memref<128x128xf32, #tpu.memory_space<vmem>>
    %dma_wait3A_524 = arith.constant 0 : i32
    %dma_wait3A_525 = tpu.memref_slice %arg4[%add3A_517, %dma_wait3A_524] : memref<819200x128xf32, #tpu.memory_space<hbm>> -> memref<128x128xf32, #tpu.memory_space<hbm>>
    %dma_wait3A_526 = tpu.memref_slice %arg8[%dma_wait3A_519] : memref<6x!tpu.dma_semaphore, #tpu.memory_space<semaphore_mem>> -> memref<1x!tpu.dma_semaphore, #tpu.memory_space<semaphore_mem>>
    %dma_wait3A_527 = tpu.memref_squeeze %dma_wait3A_526 : memref<1x!tpu.dma_semaphore, #tpu.memory_space<semaphore_mem>> -> memref<!tpu.dma_semaphore, #tpu.memory_space<semaphore_mem>>
    %dma_wait3A_528 = arith.constant 0 : i32
    %dma_wait3A_529 = tpu.memref_slice %arg4[%add3A_517, %dma_wait3A_528] : memref<819200x128xf32, #tpu.memory_space<hbm>> -> memref<128x128xf32, #tpu.memory_space<hbm>>
    %dma_wait3A_530 = arith.constant 0 : i32
    %dma_wait3A_531 = arith.constant 0 : i32
    %dma_wait3A_532 = tpu.memref_slice %arg6[%dma_wait3A_518, %dma_wait3A_530, %dma_wait3A_531] : memref<6x128x128xf32, #tpu.memory_space<vmem>> -> memref<1x128x128xf32, #tpu.memory_space<vmem>>
    %dma_wait3A_533 = tpu.memref_squeeze %dma_wait3A_532 : memref<1x128x128xf32, #tpu.memory_space<vmem>> -> memref<128x128xf32, #tpu.memory_space<vmem>>
    tpu.wait_dma2 semaphore(%dma_wait3A_527 : memref<!tpu.dma_semaphore, #tpu.memory_space<semaphore_mem>>) src(%dma_wait3A_533 : memref<128x128xf32, #tpu.memory_space<vmem>>) dst(%dma_wait3A_529 : memref<128x128xf32, #tpu.memory_space<hbm>>)
    return
  }
}

</mosaic_0001>

<sc_bundles>
// kernel: _embed_lookup.3.cloned.1.call-start
scs
__scs_entry_jumppad:
0x0: {  	(pc) =	sbr.rel $0x88, $3  }
0x1: {  	(tag) =	ssettag $0x0;
	lr =	simm.s32 $0x1  }
0x2: {  	[smem:$0x3F9F] =	sst lr;
	_ =	strace $0xD0000000  }
0x3: {  	_ = 	snop  }
0x4: {  	_ = 	snop  }
0x5: {  	_ = 	snop  }
0x6: {  	_ = 	snop  }
0x7: {  	_ = 	snop  }
__scs_overlays_trampoline_lowered:
0x8: {  	[smem:$0x3FAE] =	sst s0  }
0x9: {  	[smem:$0x3FAF] =	sst s1  }
0xa: {  	[smem:$0x3FB0] =	sst s2  }
0xb: {  	[smem:$0x3FB1] =	sst s3  }
0xc: {  	[smem:$0x3FB2] =	sst s4  }
0xd: {  	[smem:$0x3FB3] =	sst s5  }
0xe: {  	[smem:$0x3FB4] =	sst s6  }
0xf: {  	[smem:$0x3FB5] =	sst s7  }
0x10: {  	[smem:$0x3FB6] =	sst s8  }
0x11: {  	[smem:$0x3FB7] =	sst s9;
	s0 =	simm.s32 @!p0 $0x0  }
0x12: {  	s1 =	sld [smem:$0x3F9D];
	s0 =	simm.s32 @p0 $0x1  }
0x13: {  	[smem:$0x3FB8] =	sst s0;
	s0 =	simm.s32 @!p1 $0x0  }
0x14: {  	s2 =	sld [smem:$0x3F9C];
	s0 =	simm.s32 @p1 $0x1  }
0x15: {  	[smem:$0x3FB9] =	sst s0;
	s0 =	simm.s32 @!p2 $0x0  }
0x16: {  	s3 =	sld [smem:$0x3FDB];
	s0 =	simm.s32 @p2 $0x1  }
0x17: {  	s4 =	simm.s32 $0x1BF5;
	[smem:$0x3FBB] =	sst s0  }
0x18: {  	s0 =	sld [smem:$0x3F9E];
	_ =	swait.ge [sflag:s4], $0x0  }
0x19: {  	s7 =	sld [smem:$0x3F9F]  }
0x1a: {  	s8 =	sadd.s32 $0xFFFFE003, lr  }
0x1b: {  	s9 =	sadd.s32 $0xFFFFFEF7, lr;
	s5 =	simm.s32 $0xFFFFFFFF;
	p2 =	slt.u32 s8, $0xFFFFF086  }
0x1c: {  	p1 =	slt.u32 s9, $0xF7A;
	s5 =	simm.s32 @!p2 $0x0  }
0x1d: {  	s5 =	simm.s32 @p1 $0x1;
	p0 =	seq.s32 s7, s2  }
0x1e: {  	s7 =	smul.u32 @!p0 $0xF7A, s2;
	p2 =	seq.s32 @!p0 s5, $0x0  }
0x1f: {  	s9 =	smul.u32 $0xF7A, s1;
	s8 =	simm.s32 @!p0 $0x1BF5;
	p2 =	por !p2, p0  }
0x20: {  	[sflag:s8] =	ssyncset.s32 @!p0 $0xFFFFF086;
	s6 =	sadd.s32 @!p0 s3, s7;
	s7 =	simm.s32 @!p0 $0x108  }
0x21: {  	s3 =	sadd.s32 s3, s9;
	s6 =	sadd.s32 @!p0 $0x88, s6;
	s7 =	simm.s32 @p2 $0x1082  }
0x22: {  	[simem:s7], [sflag:s8] =	dma.local @!p0 [hbm:s6], $0xF7A  }
0x23: {  	s9 =	sor.u32 $0xD0000000, s2;
	s6 =	simm.s32 $0x108;
	_ =	swait.ge @!p0 [sflag:s8], $0x0  }
0x24: {  	s3 =	sadd.s32 $0x88, s3;
	s6 =	simm.s32 @!p1 $0x1082;
	[sflag:s4] =	ssyncset.s32 $0xFFFFF086  }
0x25: {  	[simem:s6], [sflag:s4] =	dma.local [hbm:s3], $0xF7A  }
0x26: {  	[smem:$0x3F9F] =	sst s1;
	(tag) =	ssettag s2;
	_ =	strace s9  }
0x27: {  	s1 =	sld [smem:$0x3FAF]  }
0x28: {  	s2 =	sld [smem:$0x3FB0]  }
0x29: {  	s4 =	sld [smem:$0x3FB2]  }
0x2a: {  	p0 =	seq.s32 s5, $0x0;
	s5 =	sld [smem:$0x3FB3]  }
0x2b: {  	s6 =	sld [smem:$0x3FB4]  }
0x2c: {  	s7 =	sld [smem:$0x3FB5]  }
0x2d: {  	s3 =	simm.s32 $0x108;
	s8 =	sld [smem:$0x3FB6]  }
0x2e: {  	s3 =	simm.s32 @!p0 $0x1082;
	s9 =	sld [smem:$0x3FB7]  }
0x2f: {  	lr =	sadd.s32 s0, s3;
	s0 =	sld [smem:$0x3FAE]  }
0x30: {  	s3 =	sld [smem:$0x3FB1]  }
0x31: {  	[smem:$0x3FBA] =	sst s10  }
0x32: {  	s10 =	sld [smem:$0x3FB8];
	_ =	sdelay $0x3  }
0x33: {  	p0 =	seq.s32 s10, $0x1;
	s10 =	sld [smem:$0x3FBA];
	_ =	sdelay $0x3  }
0x34: {  	[smem:$0x3FBA] =	sst s10  }
0x35: {  	s10 =	sld [smem:$0x3FB9];
	_ =	sdelay $0x3  }
0x36: {  	p1 =	seq.s32 s10, $0x1;
	s10 =	sld [smem:$0x3FBA];
	_ =	sdelay $0x3  }
0x37: {  	[smem:$0x3FBA] =	sst s10  }
0x38: {  	s10 =	sld [smem:$0x3FBB]  }
0x39: {  	_ = 	snop;
	(pc) =	sbr.ind lr, $3  }
0x3a: {  	_ = 	snop  }
0x3b: {  	_ = 	snop  }
0x3c: {  	p2 =	seq.s32 s10, $0x1;
	s10 =	sld [smem:$0x3FBA]  }
0x3d: {  	_ =	shalt  }
0x3e: {  	_ =	shalt  }
0x3f: {  	_ =	shalt  }
0x40: {  	_ =	shalt  }
0x41: {  	_ =	shalt  }
0x42: {  	_ =	shalt  }
0x43: {  	_ =	shalt  }
0x44: {  	_ =	shalt  }
0x45: {  	_ =	shalt  }
0x46: {  	_ =	shalt  }
0x47: {  	_ =	shalt  }
0x48: {  	_ =	shalt  }
0x49: {  	_ =	shalt  }
0x4a: {  	_ =	shalt  }
0x4b: {  	_ =	shalt  }
0x4c: {  	_ =	shalt  }
0x4d: {  	_ =	shalt  }
0x4e: {  	_ =	shalt  }
0x4f: {  	_ =	shalt  }
0x50: {  	_ =	shalt  }
0x51: {  	_ =	shalt  }
0x52: {  	_ =	shalt  }
0x53: {  	_ =	shalt  }
0x54: {  	_ =	shalt  }
0x55: {  	_ =	shalt  }
0x56: {  	_ =	shalt  }
0x57: {  	_ =	shalt  }
0x58: {  	_ =	shalt  }
0x59: {  	_ =	shalt  }
0x5a: {  	_ =	shalt  }
0x5b: {  	_ =	shalt  }
0x5c: {  	_ =	shalt  }
0x5d: {  	_ =	shalt  }
0x5e: {  	_ =	shalt  }
0x5f: {  	_ =	shalt  }
0x60: {  	_ =	shalt  }
0x61: {  	_ =	shalt  }
0x62: {  	_ =	shalt  }
0x63: {  	_ =	shalt  }
0x64: {  	_ =	shalt  }
0x65: {  	_ =	shalt  }
0x66: {  	_ =	shalt  }
0x67: {  	_ =	shalt  }
0x68: {  	_ =	shalt  }
0x69: {  	_ =	shalt  }
0x6a: {  	_ =	shalt  }
0x6b: {  	_ =	shalt  }
0x6c: {  	_ =	shalt  }
0x6d: {  	_ =	shalt  }
0x6e: {  	_ =	shalt  }
0x6f: {  	_ =	shalt  }
0x70: {  	_ =	shalt  }
0x71: {  	_ =	shalt  }
0x72: {  	_ =	shalt  }
0x73: {  	_ =	shalt  }
0x74: {  	_ =	shalt  }
0x75: {  	_ =	shalt  }
0x76: {  	_ =	shalt  }
0x77: {  	_ =	shalt  }
0x78: {  	_ =	shalt  }
0x79: {  	_ =	shalt  }
0x7a: {  	_ =	shalt  }
0x7b: {  	_ =	shalt  }
0x7c: {  	_ =	shalt  }
0x7d: {  	_ =	shalt  }
0x7e: {  	_ =	shalt  }
0x7f: {  	_ =	shalt  }
0x80: {  	_ =	shalt  }
0x81: {  	_ =	shalt  }
0x82: {  	_ =	shalt  }
0x83: {  	_ =	shalt  }
0x84: {  	_ =	shalt  }
0x85: {  	_ =	shalt  }
0x86: {  	_ =	shalt  }
0x87: {  	_ =	shalt  }
.Lfunc_end0:
.L_simem_size_0:
called_computation_lowered:
.L_overlay_start_0:
0x88: {  	s2 =	sld [smem:$0x3FD9]  }
0x89: {  	s3 =	sld [smem:$0x3FFE];
	_ =	sdelay $0x1  }
0x8a: {  	s1 =	srdreg.scid  }
0x8b: {  	s0 =	sand.u32 $0x1, s1  }
0x8c: {  	s18 =	sshll.u32 s0, $0xA;
	s2 =	sadd.s32 s3, s2  }
0x8d: {  	s2 =	sadd.s32 s2, s18  }
0x8e: {  	[smem:$0x3FC6] =	sst s2  }
0x8f: {  	_ = 	snop  }
0x90: {  	s2 =	sld [smem:$0x3FC9]  }
0x91: {  	s19 =	sld [smem:$0x3FC8]  }
0x92: {  	s4 =	sld [smem:$0x3FD0];
	(tm) =	ssettm $0x1  }
0x93: {  	s5 =	sld [smem:$0x3FFB];
	_ =	sdelay $0x3  }
0x94: {  	_ =	strace s5  }
0x95: {  	s5 =	sld [smem:$0x3FFC];
	_ =	sdelay $0x3  }
0x96: {  	_ =	strace s5  }
0x97: {  	s5 =	sld [smem:$0x3FFD];
	_ =	sdelay $0x3  }
0x98: {  	_ =	strace s5  }
0x99: {  	_ =	strace $0x8FFFFFFF  }
0x9a: {  	s20 =	sld [smem:$0x3FDB];
	_ =	sdelay $0x1  }
0x9b: {  	s6 =	simm.s32 $_scs_section_size  }
0x9c: {  	s7 =	simm.s32 $_size__tile_overlayer_lowered;
	s8 =	simm.s32 $_tile_overlayer_lowered  }
0x9d: {  	s23 =	simm.s32 $0x1BFF;
	s22 =	sshll.u32 s8, $0x1;
	s5 =	sadd.s32 s6, s20  }
0x9e: {  	s9 =	simm.s32 $0x0;
	s21 =	sshll.u32 s7, $0x1;
	s7 =	sadd.s32 s22, s5  }
0x9f: {  	[timem:s9], [sflag:s23] =	dma.local [hbm:s7], s21  }
0xa0: {  	_ =	swait.ge [sflag:s23], s21  }
0xa1: {  	s6 =	ssub.s32 $0x0, s21;
	[sflag:s23] =	ssyncset.done $0x0  }
0xa2: {  	[sflag:s23] =	ssyncadd.s32 s6;
	_ =	sdelay $0x1  }
0xa3: {  	s24 =	simm.s32 $0x1B8B  }
0xa4: {  	_ =	swait.ge [sflag:s24], $0x1  }
0xa5: {  	[sflag:s24] =	ssyncset.done $0x0  }
0xa6: {  	s25 =	simm.s32 $0x1B8E;
	[sflag:s24] =	ssyncadd.s32 $0xFFFFFFFF  }
0xa7: {  	s26 =	simm.s32 $execute0_lowered;
	[smem:$0x3FD2] =	sst s25  }
0xa8: {  	s6 =	sshll.u32 s26, $0x1;
	_ =	strace $0x80000046;
	[dreg:$0x1] =	wrdreg $0xFFFFFFFF  }
0xa9: {  	s28 =	simm.s32 $_size_execute0_lowered;
	s5 =	sadd.s32 s5, s6;
	[dreg:$0x0] =	wrdreg $0x0  }
0xaa: {  	s6 =	sshll.u32 s28, $0x1;
	[dreg:$0x2] =	wrdreg s5  }
0xab: {  	[dreg:$0x3] =	wrdreg s6  }
0xac: {  	[dreg:$0x4] =	wrdreg $0xC0  }
0xad: {  	_ =	task [dreg:s9], $0x5FFFF  }
0xae: {  	[dreg:$0x1] =	wrdreg $0xFFFFFFFF  }
0xaf: {  	[dreg:$0x0] =	wrdreg $0x60  }
0xb0: {  	[dreg:$0x2] =	wrdreg s2  }
0xb1: {  	[dreg:$0x3] =	wrdreg s19  }
0xb2: {  	[dreg:$0x4] =	wrdreg s4  }
0xb3: {  	[dreg:$0x5] =	wrdreg $0x9  }
0xb4: {  	_ =	task.clear_ibuf [dreg:s9], $0x6FFFF;
	_ =	strace $0x90000046  }
0xb5: {  	s29 =	simm.s32 $0x9;
	_ =	strace $0x80000048  }
0xb6: {  	_ =	swait.ge [sflag:s29], $0x1  }
0xb7: {  	[sflag:s29] =	ssyncadd.s32 $0xFFFFFFFF  }
0xb8: {  	_ =	strace $0x90000048  }
0xb9: {  	_ =	sfence  }
0xba: {  	s30 =	sld [smem:$0x0];
	_ =	sdelay $0x2  }
0xbb: {  	s31 =	sshll.u32 s1, $0xD;
	s1 =	sshrl.u32 s1, $0x2  }
0xbc: {  	s3 =	sand.u32 $0x4000, s31;
	s1 =	sadd.s32 s1, s30  }
0xbd: {  	s0 =	sor.u32 s3, s0;
	s1 =	sshll.u32 s1, $0x11  }
0xbe: {  	s0 =	sor.u32 s1, s0  }
0xbf: {  	s0 =	sadd.s32 $0x8F2B, s0  }
0xc0: {  	[sflag:s0] =	ssyncadd.remote.s32 $0x1  }
0xc1: {  	_ =	sfence.sel $0xFFFF  }
0xc2: {  	[dreg:$0x0] =	wrdreg $0xFFFFFFFF;
	(pc) =	sbr.abs _section_cstart, $3  }
0xc3: {  	[dreg:$0x1] =	wrdreg $0xFFFFFFFF  }
0xc4: {  	_ =	task.clear_ibuf [dreg:s9], $0x2FFFF;
	_ =	strace $0x9FFFFFFF  }
0xc5: {  	(tm) =	ssettm $0x7FFFFFFF  }
tec
execute0_lowered:
.L_overlay_start_1:
0x0: {  	(tag) =	ssettag $0x1  }
0x1: {  	s0 =	rddreg [dreg:$0x0]  }
0x2: {  	s2 =	rddreg [dreg:$0x1];
	s1 =	srdreg.scid  }
0x3: {  	s11 =	stileid.u32;
	s4 =	rddreg [dreg:$0x2];
	s3 =	simm.s32 $0x0  }
0x4: {  	s15 =	simm.s32 $0xD;
	s16 =	simm.s32 $0x80;
	s17 =	simm.s32 $0x6400  }
0x5: {  	s18 =	simm.s32 $0xA400;
	s28 =	simm.s32 $0x3;
	s30 =	simm.s32 $0x1A400  }
0x6: {  	s1 =	sand.u32 $0x1, s1;
	s5 =	sshll.u32 s11, $0x1;
	s22 =	smul.u32 $0xC8000, s11  }
0x7: {  	s5 =	sor.u32 s1, s5;
	s7 =	ssub.s32 $0x2, s1;
	s1 =	smul.u32 $0x64000, s1  }
0x8: {  	s31 =	simm.s32 $0x4;
	s19 =	simm.s32 $0x8;
	s6 =	smul.u32 $0x6400, s5  }
0x9: {  	s29 =	simm.s32 $0xA;
	[smem:$0x7FF] =	sst s3;
	s8 =	smul.u32 $0x64000, s5  }
0xa: {  	_ =	strace $0x80000047;
	s9 =	sshrl.u32 s7, $0x1;
	s10 =	smul.u32 $0x320000, s5  }
0xb: {  	s7 =	ssub.s32 s7, s9;
	s6 =	sshrl.u32 s6, $0x3;
	s5 =	sadd.s32 s4, s8  }
0xc: {  	s21 =	sshrl.u32 s10, $0x3;
	s13 =	smax.u32 s7, $0x1;
	s0 =	sadd.s32 s0, s6  }
0xd: {  	s7 =	simm.s32 $0x0;
	s20 =	sadd.s32 $0x800, s5;
	[dreg:$0x4] =	wrdreg s0  }
0xe: {  	s8 =	sadd.s32 $0x1000, s5;
	s6 =	simm.s32 $0xC;
	[dreg:$0x5] =	wrdreg s20  }
0xf: {  	[dreg:$0x6] =	wrdreg s8;
	s0 =	sadd.s32 s4, s21;
	s4 =	sadd.s32 s22, s4  }
0x10: {  	s20 =	simm.s32 $0xE400;
	s21 =	simm.s32 $0x1;
	s23 =	sadd.s32 $0x61800, s0  }
0x11: {  	s22 =	simm.s32 $0x6;
	s24 =	sadd.s32 $0x62000, s0;
	[dreg:$0x7] =	wrdreg s23  }
0x12: {  	s25 =	sadd.s32 $0x62800, s0;
	s26 =	sadd.s32 $0x63000, s0;
	[dreg:$0x8] =	wrdreg s24  }
0x13: {  	s1 =	sadd.s32 s1, s4;
	s12 =	sadd.s32 $0x63800, s0;
	[dreg:$0x9] =	wrdreg s25  }
0x14: {  	s0 =	simm.s32 $0x5;
	s4 =	simm.s32 $0xB;
	[dreg:$0xa] =	wrdreg s26  }
0x15: {  	s14 =	sadd.s32 $0x2000, s1;
	s23 =	simm.s32 $0x12400;
	s24 =	simm.s32 $0x2  }
0x16: {  	s26 =	simm.s32 $0x16400;
	s1 =	simm.s32 $0x7;
	s25 =	simm.s32 $0x9  }
.LBB2_1:
0x17: {  	s8 =	rddreg [dreg:$0x4]  }
0x18: {  	[tilespmem:s3], [sflag:$0xD] =	stream.linear.gather [hbm4b:s8+s3], $0x6400, $0x38;
	[tilespmem:$0x1E400] =	vst v63  }
0x19: {  	_ =	swait.ge [sflag:s15], $0x6400  }
0x1a: {  	[sflag:s15] =	ssyncset.done $0x0  }
0x1b: {  	[sflag:s15] =	ssyncadd.s32 $0xFFFF9C00  }
0x1c: {  	[tilespmem:s17], [sflag:$0x1] =	stream.indirect.gather [hbm4b:s2+s16], $0x80, s3, s16, $0xb8;
	[tilespmem:$0x1E400] =	vst v63  }
0x1d: {  	_ = 	snop  }
0x1e: {  	[tilespmem:s18], [sflag:$0x2] =	stream.indirect.gather [hbm4b:s2+s16], $0x80, s16, s16, $0xb8;
	[tilespmem:$0x1E400] =	vst v63  }
0x1f: {  	s11 =	simm.s32 $0x100  }
0x20: {  	[tilespmem:s20], [sflag:$0x3] =	stream.indirect.gather [hbm4b:s2+s16], $0x80, s11, s16, $0xb8;
	[tilespmem:$0x1E400] =	vst v63  }
0x21: {  	_ =	swait.ge [sflag:s21], $0x4000  }
0x22: {  	[sflag:s21] =	ssyncset.done $0x0  }
0x23: {  	[sflag:s21] =	ssyncadd.s32 $0xFFFFC000  }
0x24: {  	[hbm4b:s5+s3] =	stream.linear.scatter [tilespmem:s17], [sflag:$0x7], $0x4000, $0x38;
	[tilespmem:$0x1E400] =	vst v63  }
0x25: {  	s9 =	simm.s32 $0x180  }
0x26: {  	[tilespmem:s23], [sflag:$0x4] =	stream.indirect.gather [hbm4b:s2+s16], $0x80, s9, s16, $0xb8;
	[tilespmem:$0x1E400] =	vst v63  }
0x27: {  	_ =	swait.ge [sflag:s24], $0x4000  }
0x28: {  	[sflag:s24] =	ssyncset.done $0x0  }
0x29: {  	s10 =	rddreg [dreg:$0x5];
	[sflag:s24] =	ssyncadd.s32 $0xFFFFC000  }
0x2a: {  	[hbm4b:s10+s3] =	stream.linear.scatter [tilespmem:s18], [sflag:$0x8], $0x4000, $0x38;
	[tilespmem:$0x1E400] =	vst v63  }
0x2b: {  	s11 =	simm.s32 $0x200  }
0x2c: {  	[tilespmem:s26], [sflag:$0x5] =	stream.indirect.gather [hbm4b:s2+s16], $0x80, s11, s16, $0xb8;
	[tilespmem:$0x1E400] =	vst v63  }
0x2d: {  	_ =	swait.ge [sflag:s28], $0x4000  }
0x2e: {  	[sflag:s28] =	ssyncset.done $0x0  }
0x2f: {  	s9 =	rddreg [dreg:$0x6];
	[sflag:s28] =	ssyncadd.s32 $0xFFFFC000  }
0x30: {  	[hbm4b:s9+s3] =	stream.linear.scatter [tilespmem:s20], [sflag:$0x9], $0x4000, $0x38;
	[tilespmem:$0x1E400] =	vst v63  }
0x31: {  	s10 =	simm.s32 $0x280  }
0x32: {  	[tilespmem:s30], [sflag:$0x6] =	stream.indirect.gather [hbm4b:s2+s16], $0x80, s10, s16, $0xb8;
	[tilespmem:$0x1E400] =	vst v63  }
0x33: {  	_ =	swait.ge [sflag:s31], $0x4000  }
0x34: {  	[sflag:s31] =	ssyncset.done $0x0  }
0x35: {  	s11 =	sadd.s32 $0xFFFFF800, s14;
	[sflag:s31] =	ssyncadd.s32 $0xFFFFC000  }
0x36: {  	[hbm4b:s11+s3] =	stream.linear.scatter [tilespmem:s23], [sflag:$0xA], $0x4000, $0x38;
	[tilespmem:$0x1E400] =	vst v63  }
0x37: {  	_ =	swait.ge [sflag:s1], $0x4000  }
0x38: {  	[sflag:s1] =	ssyncset.done $0x0  }
0x39: {  	s9 =	simm.s32 $0x300;
	[sflag:s1] =	ssyncadd.s32 $0xFFFFC000  }
0x3a: {  	[tilespmem:s17], [sflag:$0x1] =	stream.indirect.gather [hbm4b:s2+s16], $0x80, s9, s16, $0xb8;
	[tilespmem:$0x1E400] =	vst v63  }
0x3b: {  	_ =	swait.ge [sflag:s0], $0x4000  }
0x3c: {  	[sflag:s0] =	ssyncset.done $0x0  }
0x3d: {  	[sflag:s0] =	ssyncadd.s32 $0xFFFFC000  }
0x3e: {  	[hbm4b:s14+s3] =	stream.linear.scatter [tilespmem:s26], [sflag:$0xB], $0x4000, $0x38;
	[tilespmem:$0x1E400] =	vst v63  }
0x3f: {  	_ =	swait.ge [sflag:s19], $0x4000  }
0x40: {  	[sflag:s19] =	ssyncset.done $0x0  }
0x41: {  	s10 =	simm.s32 $0x380;
	[sflag:s19] =	ssyncadd.s32 $0xFFFFC000  }
0x42: {  	[tilespmem:s18], [sflag:$0x2] =	stream.indirect.gather [hbm4b:s2+s16], $0x80, s10, s16, $0xb8;
	[tilespmem:$0x1E400] =	vst v63  }
0x43: {  	_ =	swait.ge [sflag:s22], $0x4000  }
0x44: {  	[sflag:s22] =	ssyncset.done $0x0  }
0x45: {  	s11 =	sadd.s32 $0x800, s14;
	[sflag:s22] =	ssyncadd.s32 $0xFFFFC000  }
0x46: {  	[hbm4b:s11+s3] =	stream.linear.scatter [tilespmem:s30], [sflag:$0xC], $0x4000, $0x38;
	[tilespmem:$0x1E400] =	vst v63  }
0x47: {  	_ =	swait.ge [sflag:s25], $0x4000  }
0x48: {  	[sflag:s25] =	ssyncset.done $0x0  }
0x49: {  	s9 =	simm.s32 $0x400;
	[sflag:s25] =	ssyncadd.s32 $0xFFFFC000  }
0x4a: {  	[tilespmem:s20], [sflag:$0x3] =	stream.indirect.gather [hbm4b:s2+s16], $0x80, s9, s16, $0xb8;
	[tilespmem:$0x1E400] =	vst v63  }
0x4b: {  	_ =	swait.ge [sflag:s21], $0x4000  }
0x4c: {  	[sflag:s21] =	ssyncset.done $0x0  }
0x4d: {  	s10 =	sadd.s32 $0x1000, s14;
	[sflag:s21] =	ssyncadd.s32 $0xFFFFC000  }
0x4e: {  	[hbm4b:s10+s3] =	stream.linear.scatter [tilespmem:s17], [sflag:$0x7], $0x4000, $0x38;
	[tilespmem:$0x1E400] =	vst v63  }
0x4f: {  	_ =	swait.ge [sflag:s29], $0x4000  }
0x50: {  	[sflag:s29] =	ssyncset.done $0x0  }
0x51: {  	s11 =	simm.s32 $0x480;
	[sflag:s29] =	ssyncadd.s32 $0xFFFFC000  }
0x52: {  	[tilespmem:s23], [sflag:$0x4] =	stream.indirect.gather [hbm4b:s2+s16], $0x80, s11, s16, $0xb8;
	[tilespmem:$0x1E400] =	vst v63  }
0x53: {  	_ =	swait.ge [sflag:s24], $0x4000  }
0x54: {  	[sflag:s24] =	ssyncset.done $0x0  }
0x55: {  	s9 =	sadd.s32 $0x1800, s14;
	[sflag:s24] =	ssyncadd.s32 $0xFFFFC000  }
0x56: {  	[hbm4b:s9+s3] =	stream.linear.scatter [tilespmem:s18], [sflag:$0x8], $0x4000, $0x38;
	[tilespmem:$0x1E400] =	vst v63  }
0x57: {  	_ =	swait.ge [sflag:s4], $0x4000  }
0x58: {  	[sflag:s4] =	ssyncset.done $0x0  }
0x59: {  	s10 =	simm.s32 $0x500;
	[sflag:s4] =	ssyncadd.s32 $0xFFFFC000  }
0x5a: {  	[tilespmem:s26], [sflag:$0x5] =	stream.indirect.gather [hbm4b:s2+s16], $0x80, s10, s16, $0xb8;
	[tilespmem:$0x1E400] =	vst v63  }
0x5b: {  	_ =	swait.ge [sflag:s28], $0x4000  }
0x5c: {  	[sflag:s28] =	ssyncset.done $0x0  }
0x5d: {  	s11 =	sadd.s32 $0x2000, s14;
	[sflag:s28] =	ssyncadd.s32 $0xFFFFC000  }
0x5e: {  	[hbm4b:s11+s3] =	stream.linear.scatter [tilespmem:s20], [sflag:$0x9], $0x4000, $0x38;
	[tilespmem:$0x1E400] =	vst v63  }
0x5f: {  	_ =	swait.ge [sflag:s6], $0x4000  }
0x60: {  	s8 =	simm.s32 $0xC00;
	[sflag:s6] =	ssyncset.done $0x0  }
0x61: {  	s9 =	sadd.s32 $0x3000, s14;
	s10 =	simm.s32 $0x580;
	[sflag:s6] =	ssyncadd.s32 $0xFFFFC000  }
.LBB2_2:
0x62: {  	[tilespmem:s30], [sflag:$0x6] =	stream.indirect.gather [hbm4b:s2+s16], $0x80, s10, s16, $0xb8;
	[tilespmem:$0x1E400] =	vst v63  }
0x63: {  	s10 =	smov.u32 s8  }
0x64: {  	p0 =	sne.s32 s8, $0x17400;
	s8 =	sadd.s32 $0xC00, s8;
	_ =	swait.ge [sflag:s31], $0x4000  }
0x65: {  	[sflag:s31] =	ssyncset.done $0x0  }
0x66: {  	s11 =	sadd.s32 $0xFFFFF800, s9;
	[sflag:s31] =	ssyncadd.s32 $0xFFFFC000  }
0x67: {  	[hbm4b:s11+s3] =	stream.linear.scatter [tilespmem:s23], [sflag:$0xA], $0x4000, $0x38;
	[tilespmem:$0x1E400] =	vst v63  }
0x68: {  	_ =	swait.ge [sflag:s1], $0x4000  }
0x69: {  	s10 =	sshra.s32 s10, $0x2;
	[sflag:s1] =	ssyncset.done $0x0  }
0x6a: {  	s11 =	sadd.s32 $0x300, s10;
	[sflag:s1] =	ssyncadd.s32 $0xFFFFC000  }
0x6b: {  	[tilespmem:s17], [sflag:$0x1] =	stream.indirect.gather [hbm4b:s2+s16], $0x80, s11, s16, $0xb8;
	[tilespmem:$0x1E400] =	vst v63  }
0x6c: {  	_ =	swait.ge [sflag:s0], $0x4000  }
0x6d: {  	[sflag:s0] =	ssyncset.done $0x0  }
0x6e: {  	[sflag:s0] =	ssyncadd.s32 $0xFFFFC000  }
0x6f: {  	[hbm4b:s9+s3] =	stream.linear.scatter [tilespmem:s26], [sflag:$0xB], $0x4000, $0x38;
	[tilespmem:$0x1E400] =	vst v63  }
0x70: {  	_ =	swait.ge [sflag:s19], $0x4000  }
0x71: {  	[sflag:s19] =	ssyncset.done $0x0  }
0x72: {  	s11 =	sadd.s32 $0x380, s10;
	[sflag:s19] =	ssyncadd.s32 $0xFFFFC000  }
0x73: {  	[tilespmem:s18], [sflag:$0x2] =	stream.indirect.gather [hbm4b:s2+s16], $0x80, s11, s16, $0xb8;
	[tilespmem:$0x1E400] =	vst v63  }
0x74: {  	_ =	swait.ge [sflag:s22], $0x4000  }
0x75: {  	[sflag:s22] =	ssyncset.done $0x0  }
0x76: {  	s11 =	sadd.s32 $0x800, s9;
	[sflag:s22] =	ssyncadd.s32 $0xFFFFC000  }
0x77: {  	[hbm4b:s11+s3] =	stream.linear.scatter [tilespmem:s30], [sflag:$0xC], $0x4000, $0x38;
	[tilespmem:$0x1E400] =	vst v63  }
0x78: {  	_ =	swait.ge [sflag:s25], $0x4000  }
0x79: {  	[sflag:s25] =	ssyncset.done $0x0  }
0x7a: {  	s11 =	sadd.s32 $0x400, s10;
	[sflag:s25] =	ssyncadd.s32 $0xFFFFC000  }
0x7b: {  	[tilespmem:s20], [sflag:$0x3] =	stream.indirect.gather [hbm4b:s2+s16], $0x80, s11, s16, $0xb8;
	[tilespmem:$0x1E400] =	vst v63  }
0x7c: {  	_ =	swait.ge [sflag:s21], $0x4000  }
0x7d: {  	[sflag:s21] =	ssyncset.done $0x0  }
0x7e: {  	s11 =	sadd.s32 $0x1000, s9;
	[sflag:s21] =	ssyncadd.s32 $0xFFFFC000  }
0x7f: {  	[hbm4b:s11+s3] =	stream.linear.scatter [tilespmem:s17], [sflag:$0x7], $0x4000, $0x38;
	[tilespmem:$0x1E400] =	vst v63  }
0x80: {  	_ =	swait.ge [sflag:s29], $0x4000  }
0x81: {  	[sflag:s29] =	ssyncset.done $0x0  }
0x82: {  	s11 =	sadd.s32 $0x480, s10;
	[sflag:s29] =	ssyncadd.s32 $0xFFFFC000  }
0x83: {  	[tilespmem:s23], [sflag:$0x4] =	stream.indirect.gather [hbm4b:s2+s16], $0x80, s11, s16, $0xb8;
	[tilespmem:$0x1E400] =	vst v63  }
0x84: {  	_ =	swait.ge [sflag:s24], $0x4000  }
0x85: {  	[sflag:s24] =	ssyncset.done $0x0  }
0x86: {  	s11 =	sadd.s32 $0x1800, s9;
	[sflag:s24] =	ssyncadd.s32 $0xFFFFC000  }
0x87: {  	[hbm4b:s11+s3] =	stream.linear.scatter [tilespmem:s18], [sflag:$0x8], $0x4000, $0x38;
	[tilespmem:$0x1E400] =	vst v63  }
0x88: {  	_ =	swait.ge [sflag:s4], $0x4000  }
0x89: {  	[sflag:s4] =	ssyncset.done $0x0  }
0x8a: {  	s11 =	sadd.s32 $0x500, s10;
	[sflag:s4] =	ssyncadd.s32 $0xFFFFC000  }
0x8b: {  	[tilespmem:s26], [sflag:$0x5] =	stream.indirect.gather [hbm4b:s2+s16], $0x80, s11, s16, $0xb8;
	[tilespmem:$0x1E400] =	vst v63  }
0x8c: {  	_ =	swait.ge [sflag:s28], $0x4000  }
0x8d: {  	[sflag:s28] =	ssyncset.done $0x0  }
.Ltmp0:
0x8e: {  	s11 =	sadd.s32 $0x2000, s9;
	[sflag:s28] =	ssyncadd.s32 $0xFFFFC000;
	(pc) =	sbr.rel @p0 .LBB2_2-.Ltmp0, $4  }
0x8f: {  	[hbm4b:s11+s3] =	stream.linear.scatter [tilespmem:s20], [sflag:$0x9], $0x4000, $0x38;
	[tilespmem:$0x1E400] =	vst v63  }
0x90: {  	_ =	swait.ge [sflag:s6], $0x4000  }
0x91: {  	[sflag:s6] =	ssyncset.done $0x0  }
0x92: {  	s10 =	sadd.s32 $0x580, s10;
	s9 =	sadd.s32 $0x3000, s9;
	[sflag:s6] =	ssyncadd.s32 $0xFFFFC000  }
0x93: {  	[tilespmem:s30], [sflag:$0x6] =	stream.indirect.gather [hbm4b:s2+s16], $0x80, s10, s16, $0xb8;
	[tilespmem:$0x1E400] =	vst v63  }
0x94: {  	_ =	swait.ge [sflag:s31], $0x4000  }
0x95: {  	[sflag:s31] =	ssyncset.done $0x0  }
0x96: {  	s8 =	rddreg [dreg:$0x7];
	[sflag:s31] =	ssyncadd.s32 $0xFFFFC000  }
0x97: {  	[hbm4b:s8+s3] =	stream.linear.scatter [tilespmem:s23], [sflag:$0xA], $0x4000, $0x38;
	[tilespmem:$0x1E400] =	vst v63  }
0x98: {  	_ =	swait.ge [sflag:s1], $0x4000  }
0x99: {  	[sflag:s1] =	ssyncset.done $0x0  }
0x9a: {  	s10 =	simm.s32 $0x6300;
	[sflag:s1] =	ssyncadd.s32 $0xFFFFC000  }
0x9b: {  	[tilespmem:s17], [sflag:$0x1] =	stream.indirect.gather [hbm4b:s2+s16], $0x80, s10, s16, $0xb8;
	[tilespmem:$0x1E400] =	vst v63  }
0x9c: {  	_ =	swait.ge [sflag:s0], $0x4000  }
0x9d: {  	[sflag:s0] =	ssyncset.done $0x0  }
0x9e: {  	s11 =	rddreg [dreg:$0x8];
	[sflag:s0] =	ssyncadd.s32 $0xFFFFC000  }
0x9f: {  	[hbm4b:s11+s3] =	stream.linear.scatter [tilespmem:s26], [sflag:$0xB], $0x4000, $0x38;
	[tilespmem:$0x1E400] =	vst v63  }
0xa0: {  	_ =	swait.ge [sflag:s19], $0x4000  }
0xa1: {  	[sflag:s19] =	ssyncset.done $0x0  }
0xa2: {  	s9 =	simm.s32 $0x6380;
	[sflag:s19] =	ssyncadd.s32 $0xFFFFC000  }
0xa3: {  	[tilespmem:s18], [sflag:$0x2] =	stream.indirect.gather [hbm4b:s2+s16], $0x80, s9, s16, $0xb8;
	[tilespmem:$0x1E400] =	vst v63  }
0xa4: {  	_ =	swait.ge [sflag:s22], $0x4000  }
0xa5: {  	[sflag:s22] =	ssyncset.done $0x0  }
0xa6: {  	s10 =	rddreg [dreg:$0x9];
	[sflag:s22] =	ssyncadd.s32 $0xFFFFC000  }
0xa7: {  	[hbm4b:s10+s3] =	stream.linear.scatter [tilespmem:s30], [sflag:$0xC], $0x4000, $0x38;
	[tilespmem:$0x1E400] =	vst v63  }
0xa8: {  	_ =	swait.ge [sflag:s21], $0x4000  }
0xa9: {  	[sflag:s21] =	ssyncset.done $0x0  }
0xaa: {  	s11 =	rddreg [dreg:$0xa];
	[sflag:s21] =	ssyncadd.s32 $0xFFFFC000  }
0xab: {  	[hbm4b:s11+s3] =	stream.linear.scatter [tilespmem:s17], [sflag:$0x7], $0x4000, $0x38;
	[tilespmem:$0x1E400] =	vst v63  }
0xac: {  	_ =	swait.ge [sflag:s24], $0x4000  }
0xad: {  	[sflag:s24] =	ssyncset.done $0x0  }
0xae: {  	[sflag:s24] =	ssyncadd.s32 $0xFFFFC000  }
0xaf: {  	[hbm4b:s12+s3] =	stream.linear.scatter [tilespmem:s18], [sflag:$0x8], $0x4000, $0x38;
	[tilespmem:$0x1E400] =	vst v63  }
0xb0: {  	_ =	swait.ge [sflag:s25], $0x4000  }
0xb1: {  	[sflag:s25] =	ssyncset.done $0x0  }
0xb2: {  	[sflag:s25] =	ssyncadd.s32 $0xFFFFC000  }
0xb3: {  	_ =	swait.ge [sflag:s29], $0x4000  }
0xb4: {  	[sflag:s29] =	ssyncset.done $0x0  }
0xb5: {  	[sflag:s29] =	ssyncadd.s32 $0xFFFFC000  }
0xb6: {  	_ =	swait.ge [sflag:s4], $0x4000  }
0xb7: {  	[sflag:s4] =	ssyncset.done $0x0  }
0xb8: {  	[sflag:s4] =	ssyncadd.s32 $0xFFFFC000  }
0xb9: {  	_ =	swait.ge [sflag:s6], $0x4000  }
0xba: {  	[sflag:s6] =	ssyncset.done $0x0  }
0xbb: {  	s7 =	sadd.s32 $0x1, s7;
	[sflag:s6] =	ssyncadd.s32 $0xFFFFC000  }
0xbc: {  	p0 =	sne.s32 s7, s13;
	_ =	swait.ge [sflag:s1], $0x4000  }
.Ltmp1:
0xbd: {  	[sflag:s1] =	ssyncset.done $0x0;
	(pc) =	sbr.rel @p0 .LBB2_1-.Ltmp1, $4  }
0xbe: {  	[sflag:s1] =	ssyncadd.s32 $0xFFFFC000  }
0xbf: {  	_ =	swait.ge [sflag:s19], $0x4000  }
0xc0: {  	[sflag:s19] =	ssyncset.done $0x0  }
0xc1: {  	[sflag:s19] =	ssyncadd.s32 $0xFFFFC000  }
0xc2: {  	_ =	sfence.sel $0x180000  }
0xc3: {  	[bflag:$0x0] =	sbarrier.arrive $0xFFFF  }
0xc4: {  	_ =	strace $0x90000047  }
0xc5: {  	s0 =	stileid.u32;
	[bflag:$0x2] =	sbarrier.arrive $0xFFFF  }
0xc6: {  	p0 =	sne.s32 s0, $0x0;
	s0 =	rddreg [dreg:$0x3]  }
0xc7: {  	s0 =	sadd.s32 @!p0 $0x100000, s0  }
0xc8: {  	[sflag:s0] =	ssyncadd.tile.s32 @!p0 $0x1;
	_ =	shalt  }
.Lfunc_end2:
_tile_overlayer_lowered:
.L_overlay_start_2:
0xc9: {  	(tag) =	ssettag $0x2  }
0xca: {  	s0 =	rddreg [dreg:$0x0];
	s2 =	stileid.u32  }
0xcb: {  	s1 =	rddreg [dreg:$0x1];
	p0 =	sne.s32 s2, $0x0  }
0xcc: {  	s3 =	rddreg [dreg:$0x2];
	[bflag:$0x3] =	sbarrier.arrive $0xFFFF;
	s2 =	simm.s32 @!p0 $0x1C0D  }
0xcd: {  	[timem:s3], [sflag:s2] =	dma.local @!p0 [hbm:s0], s1  }
0xce: {  	s0 =	simm.s32 @!p0 $0xD  }
0xcf: {  	_ =	swait.ge @!p0 [sflag:s0], s1  }
0xd0: {  	s1 =	ssub.s32 @!p0 $0x0, s1;
	[sflag:s0] =	ssyncset.done @!p0 $0x0  }
0xd1: {  	[sflag:s0] =	ssyncadd.s32 @!p0 s1  }
0xd2: {  	[bflag:$0x3] =	sbarrier.arrive $0xFFFF  }
0xd3: {  	_ =	shalt  }

</sc_bundles>
